<compile_context>
chip_gen: v7x
topology: tpu7x:2x2x1
jax: 0.10.2.dev20260603
libtpu: 0.0.44.dev20260713+nightly
codegen_flags: <defaults>
</compile_context>

<pallas_src>
import functools

import jax
import jax.numpy as jnp
from jax import lax
from jax.experimental import pallas as pl
from jax.experimental.pallas import tpu as pltpu
from jax.experimental.pallas import tpu_sc as plsc

N = 10000
E = 320000
D_IN = 128
D_H = 128
D_OUT = 64

NPAD = 10240
DUMMY = N
NW = 32
C = 128
CHD = -(-E // (NW * C))

CH0 = 80
CH1 = 80
CHA = max(CH0, CH1)
CAP0 = 16 * CH0 * C
CAP1 = 16 * CH1 * C

ACCR = 10112
ROWS_PER_TILE = ACCR // 16

_MESH = plsc.VectorSubcoreMesh(core_axis_name="c", subcore_axis_name="s")


@functools.partial(
    pl.kernel,
    out_type=jax.ShapeDtypeStruct((2, NPAD, D_H), jnp.float32),
    mesh=_MESH,
    scratch_types=[
        pltpu.VMEM((2, CHD, C), jnp.int32),
        pltpu.VMEM((C, D_H), jnp.float32),
        pltpu.VMEM_SHARED((ACCR, D_H), jnp.float32),
    ],
)
def _deg_kernel(slabs_hbm, ones_hbm, zeros_hbm, degp_hbm, idx, ones_v, acc):
    c = lax.axis_index("c")
    s = lax.axis_index("s")
    pltpu.sync_copy(ones_hbm, ones_v)
    pltpu.sync_copy(slabs_hbm.at[c, pl.ds(s * 2, 2)], idx)
    r0 = s * ROWS_PER_TILE
    pltpu.sync_copy(zeros_hbm.at[pl.ds(r0, ROWS_PER_TILE)],
                    acc.at[pl.ds(r0, ROWS_PER_TILE)])
    plsc.subcore_barrier()

    def body(j, carry):
        pltpu.sync_copy(ones_v, acc.at[idx.at[0, j]], add=True)
        pltpu.sync_copy(ones_v, acc.at[idx.at[1, j]], add=True)
        return carry

    lax.fori_loop(0, CHD, body, 0)
    plsc.subcore_barrier()
    pltpu.sync_copy(acc.at[pl.ds(r0, ROWS_PER_TILE)],
                    degp_hbm.at[c, pl.ds(r0, ROWS_PER_TILE)])


def _make_agg_kernel(D):
    @functools.partial(
        pl.kernel,
        out_type=jax.ShapeDtypeStruct((2, NPAD, D), jnp.float32),
        mesh=_MESH,
        scratch_types=[
            pltpu.VMEM((CHA, C), jnp.int32),
            pltpu.VMEM((CHA, C), jnp.int32),
            pltpu.VMEM((C, D), jnp.float32),
            pltpu.VMEM_SHARED((ACCR, D), jnp.float32),
            pltpu.SemaphoreType.DMA,
        ],
    )
    def _agg(h_hbm, src_hbm, dst_hbm, zeros_hbm, out_hbm,
             idx_src, idx_dst, rows, acc, sem):
        c = lax.axis_index("c")
        s = lax.axis_index("s")
        w = c * 16 + s
        r0 = s * ROWS_PER_TILE
        pltpu.sync_copy(zeros_hbm.at[pl.ds(r0, ROWS_PER_TILE)],
                        acc.at[pl.ds(r0, ROWS_PER_TILE)])
        plsc.subcore_barrier()

        pltpu.sync_copy(src_hbm.at[w], idx_src)
        pltpu.sync_copy(dst_hbm.at[w], idx_dst)

        def body(j, carry):
            pltpu.async_copy(h_hbm.at[idx_src.at[j]], rows, sem).wait()
            pltpu.sync_copy(rows, acc.at[idx_dst.at[j]], add=True)
            return carry

        lax.fori_loop(0, CH0, body, 0)
        plsc.subcore_barrier()
        pltpu.sync_copy(acc.at[pl.ds(r0, ROWS_PER_TILE)],
                        out_hbm.at[c, pl.ds(r0, ROWS_PER_TILE)])

    return _agg


_agg128 = _make_agg_kernel(D_H)


BLK = 1024
GRID = NPAD // BLK


def _norms(degp):
    ns = lax.rsqrt(jnp.maximum(degp[0], 1.0))[:, 0:1]
    nd = lax.rsqrt(jnp.maximum(degp[1], 1.0))[:, 0:1]
    return ns, nd


def _tc_a_body(x_ref, degp_ref, w1_ref, o_ref):
    ns, _ = _norms(degp_ref[...])
    o_ref[...] = jnp.dot(x_ref[...] * ns, w1_ref[...],
                         preferred_element_type=jnp.float32)


def _tc_b_body(agg_ref, degp_ref, b1_ref, w2_ref, o_ref):
    ns, nd = _norms(degp_ref[...])
    a = agg_ref[0] + agg_ref[1]
    h = jax.nn.relu(a * nd + b1_ref[...])
    o_ref[...] = jnp.dot(h * ns, w2_ref[...],
                         preferred_element_type=jnp.float32)


def _tc_c_body(agg_ref, degp_ref, b2_ref, o_ref):
    _, nd = _norms(degp_ref[...])
    a = agg_ref[0] + agg_ref[1]
    o_ref[...] = a * nd + b2_ref[...]


_degp_spec = pl.BlockSpec((2, BLK, D_H), lambda i: (0, i, 0))


def _tc_a(x, degp, w1):
    return pl.pallas_call(
        _tc_a_body,
        grid=(GRID,),
        in_specs=[
            pl.BlockSpec((BLK, D_IN), lambda i: (i, 0)),
            _degp_spec,
            pl.BlockSpec((D_IN, D_H), lambda i: (0, 0)),
        ],
        out_specs=pl.BlockSpec((BLK, D_H), lambda i: (i, 0)),
        out_shape=jax.ShapeDtypeStruct((NPAD, D_H), jnp.float32),
    )(x, degp, w1)


def _tc_b(agg1, degp, b1, w2p):
    return pl.pallas_call(
        _tc_b_body,
        grid=(GRID,),
        in_specs=[
            pl.BlockSpec((2, BLK, D_H), lambda i: (0, i, 0)),
            _degp_spec,
            pl.BlockSpec((1, D_H), lambda i: (0, 0)),
            pl.BlockSpec((D_H, D_H), lambda i: (0, 0)),
        ],
        out_specs=pl.BlockSpec((BLK, D_H), lambda i: (i, 0)),
        out_shape=jax.ShapeDtypeStruct((NPAD, D_H), jnp.float32),
    )(agg1, degp, b1, w2p)


def _tc_c(agg2, degp, b2):
    return pl.pallas_call(
        _tc_c_body,
        grid=(GRID,),
        in_specs=[
            pl.BlockSpec((2, BLK, D_H), lambda i: (0, i, 0)),
            _degp_spec,
            pl.BlockSpec((1, D_H), lambda i: (0, 0)),
        ],
        out_specs=pl.BlockSpec((BLK, D_H), lambda i: (i, 0)),
        out_shape=jax.ShapeDtypeStruct((NPAD, D_H), jnp.float32),
    )(agg2, degp, b2)


def kernel(in_feat, edge_index, W1, b1, W2, b2):
    src = edge_index[0]
    dst = edge_index[1]

    padd = NW * CHD * C - E
    filld = jnp.full((padd,), DUMMY, jnp.int32)
    srcp = jnp.concatenate([src, filld]).reshape(NW, CHD, C)
    dstp = jnp.concatenate([dst, filld]).reshape(NW, CHD, C)
    slabs = jnp.stack([srcp, dstp])

    def asym(e):
        ep = jnp.concatenate(
            [e, jnp.full((CAP0 + CAP1 - E,), DUMMY, jnp.int32)])
        p0 = ep[:CAP0].reshape(16, CH0, C)
        p1 = ep[CAP0:].reshape(16, CH1, C)
        p1 = jnp.pad(p1, ((0, 0), (0, CHA - CH1), (0, 0)),
                     constant_values=DUMMY)
        return jnp.concatenate([p0, p1], axis=0)

    srcp_a = asym(src)
    dstp_a = asym(dst)

    x_pad = jnp.pad(in_feat, ((0, NPAD - N), (0, 0)))
    ones128 = jnp.ones((C, D_H), jnp.float32)
    zeros128 = jnp.zeros((NPAD, D_H), jnp.float32)
    w2p = jnp.pad(W2, ((0, 0), (0, D_H - D_OUT)))
    b2p = jnp.pad(b2, (0, D_H - D_OUT)).reshape(1, D_H)

    degp = _deg_kernel(slabs, ones128, zeros128)
    hs1 = _tc_a(x_pad, degp, W1)
    agg1 = _agg128(hs1, srcp_a, dstp_a, zeros128)
    hs2 = _tc_b(agg1, degp, b1.reshape(1, D_H), w2p)
    agg2 = _agg128(hs2, srcp_a, dstp_a, zeros128)
    outp = _tc_c(agg2, degp, b2p)
    return outp[:N, :D_OUT]

# --- scband reference (transcript-rebuilt; emitter-appended) ---
"""Pipeline reference for scband-gcn-57947698758286 (READ-ONLY COPY).

The authoritative reference and input builder live on the scoring server;
editing this copy changes nothing except your own understanding.
"""

import jax
import jax.numpy as jnp
import numpy as np

N = 10000
E = 320000
D_IN = 128
D_H = 128
D_OUT = 64


def setup_inputs(seed: int = 0) -> dict:
    key = jax.random.key(seed)
    k1, k2, k3, k4, k5, k6 = jax.random.split(key, 6)
    x = jax.random.normal(k1, (N, D_IN), dtype=jnp.float32)
    edge_index = jax.random.randint(k2, (2, E), 0, N, dtype=jnp.int32)
    # GraphConv params (glorot-ish init)
    W1 = jax.random.normal(k3, (D_IN, D_H), dtype=jnp.float32) * (1.0 / np.sqrt(D_IN))
    b1 = jnp.zeros((D_H,), dtype=jnp.float32)
    W2 = jax.random.normal(k4, (D_H, D_OUT), dtype=jnp.float32) * (1.0 / np.sqrt(D_H))
    b2 = jnp.zeros((D_OUT,), dtype=jnp.float32)
    return {"in_feat": x, "edge_index": edge_index, "W1": W1, "b1": b1, "W2": W2, "b2": b2}


def _graph_conv(h, src, dst, norm_src, norm_dst, W, b):
    # DGL GraphConv with norm='both': D_out^{-1/2} on src side, sum-aggregate, D_in^{-1/2} on dst side
    h = h * norm_src[:, None]
    h = h @ W
    msg = jnp.take(h, src, axis=0)
    agg = jax.ops.segment_sum(msg, dst, num_segments=N)
    agg = agg * norm_dst[:, None]
    return agg + b


def reference(in_feat, edge_index, W1, b1, W2, b2):
    src = edge_index[0]
    dst = edge_index[1]
    ones = jnp.ones((E,), dtype=jnp.float32)
    deg_out = jnp.clip(jax.ops.segment_sum(ones, src, num_segments=N), 1.0)
    deg_in = jnp.clip(jax.ops.segment_sum(ones, dst, num_segments=N), 1.0)
    norm_src = deg_out ** -0.5
    norm_dst = deg_in ** -0.5
    h = _graph_conv(in_feat, src, dst, norm_src, norm_dst, W1, b1)
    h = jax.nn.relu(h)
    out = _graph_conv(h, src, dst, norm_src, norm_dst, W2, b2)
    return out

if __name__ == "__main__":
    import jax
    _d = setup_inputs()
    print(jax.jit(kernel)(*tuple(_d.values())))

</pallas_src>

<mosaic_0001>
#map = affine_map<(d0, d1) -> (0, 0)>
#map1 = affine_map<(d0, d1) -> (0, 0, 0)>
module attributes {stable_mosaic.version = 14 : i64} {
  func.func @_agg(%arg0: i32, %arg1: i32, %arg2: memref<10240x128xf32, #tpu.memory_space<hbm>>, %arg3: memref<32x80x128xi32, #tpu.memory_space<hbm>>, %arg4: memref<32x80x128xi32, #tpu.memory_space<hbm>>, %arg5: memref<10240x128xf32, #tpu.memory_space<hbm>>, %arg6: memref<2x10240x128xf32, #tpu.memory_space<hbm>>, %arg7: memref<80x128xi32, #tpu.memory_space<vmem>>, %arg8: memref<80x128xi32, #tpu.memory_space<vmem>>, %arg9: memref<128x128xf32, #tpu.memory_space<vmem>>, %arg10: memref<10112x128xf32, #tpu.memory_space<vmem_shared>>, %arg11: memref<!tpu.dma_semaphore, #tpu.memory_space<semaphore_mem>>) attributes {dimension_semantics = [#tpu.dimension_semantics<core_parallel>, #tpu.dimension_semantics<subcore_parallel>], iteration_bounds = array<i64: 2, 16>, scalar_prefetch = 0 : i64, scratch_operands = 5 : i64, tpu.core_type = #tpu.core_type<sc_vector_subcore>, window_params = [{transform_indices = #map}, {transform_indices = #map1}, {transform_indices = #map1}, {transform_indices = #map}, {transform_indices = #map1}]} {
    %mul3A = arith.constant 16 : i32
    %mul3A_0 = arith.muli %arg0, %mul3A : i32
    %add3A = arith.addi %mul3A_0, %arg1 : i32
    %mul3A_1 = arith.constant 632 : i32
    %mul3A_2 = arith.muli %arg1, %mul3A_1 : i32
    "tpu.region"() ({
      %run_scoped3A = tpu.sem_alloc : memref<!tpu.dma_semaphore, #tpu.memory_space<semaphore_mem>>
      %dma_start3A = arith.constant 0 : i32
      %dma_start3A_9 = tpu.memref_slice %arg10[%mul3A_2, %dma_start3A] : memref<10112x128xf32, #tpu.memory_space<vmem_shared>> -> memref<632x128xf32, #tpu.memory_space<vmem_shared>>
      %dma_start3A_10 = arith.constant 0 : i32
      %dma_start3A_11 = tpu.memref_slice %arg5[%mul3A_2, %dma_start3A_10] : memref<10240x128xf32, #tpu.memory_space<hbm>> -> memref<632x128xf32, #tpu.memory_space<hbm>>
      tpu.enqueue_dma source(%dma_start3A_11 : memref<632x128xf32, #tpu.memory_space<hbm>>) target(%dma_start3A_9 : memref<632x128xf32, #tpu.memory_space<vmem_shared>>) target_semaphore(%run_scoped3A : memref<!tpu.dma_semaphore, #tpu.memory_space<semaphore_mem>>)
      %dma_wait3A = arith.constant 0 : i32
      %dma_wait3A_12 = tpu.memref_slice %arg10[%mul3A_2, %dma_wait3A] : memref<10112x128xf32, #tpu.memory_space<vmem_shared>> -> memref<632x128xf32, #tpu.memory_space<vmem_shared>>
      %dma_wait3A_13 = arith.constant 0 : i32
      %dma_wait3A_14 = tpu.memref_slice %arg5[%mul3A_2, %dma_wait3A_13] : memref<10240x128xf32, #tpu.memory_space<hbm>> -> memref<632x128xf32, #tpu.memory_space<hbm>>
      tpu.wait_dma2 semaphore(%run_scoped3A : memref<!tpu.dma_semaphore, #tpu.memory_space<semaphore_mem>>) src(%dma_wait3A_14 : memref<632x128xf32, #tpu.memory_space<hbm>>) dst(%dma_wait3A_12 : memref<632x128xf32, #tpu.memory_space<vmem_shared>>)
      tpu.yield
    }) : () -> ()
    %barrier3A = arith.constant 0 : index
    tpu.barrier barrier_id(%barrier3A)
    "tpu.region"() ({
      %run_scoped3A = tpu.sem_alloc : memref<!tpu.dma_semaphore, #tpu.memory_space<semaphore_mem>>
      %dma_start3A = arith.constant 0 : i32
      %dma_start3A_9 = arith.constant 0 : i32
      %dma_start3A_10 = tpu.memref_slice %arg3[%add3A, %dma_start3A, %dma_start3A_9] : memref<32x80x128xi32, #tpu.memory_space<hbm>> -> memref<1x80x128xi32, #tpu.memory_space<hbm>>
      %dma_start3A_11 = tpu.memref_squeeze %dma_start3A_10 : memref<1x80x128xi32, #tpu.memory_space<hbm>> -> memref<80x128xi32, #tpu.memory_space<hbm>>
      %dma_start3A_12 = arith.constant 0 : i32
      %dma_start3A_13 = arith.constant 0 : i32
      %dma_start3A_14 = tpu.memref_slice %arg3[%add3A, %dma_start3A_12, %dma_start3A_13] : memref<32x80x128xi32, #tpu.memory_space<hbm>> -> memref<1x80x128xi32, #tpu.memory_space<hbm>>
      %dma_start3A_15 = tpu.memref_squeeze %dma_start3A_14 : memref<1x80x128xi32, #tpu.memory_space<hbm>> -> memref<80x128xi32, #tpu.memory_space<hbm>>
      tpu.enqueue_dma source(%dma_start3A_15 : memref<80x128xi32, #tpu.memory_space<hbm>>) target(%arg7 : memref<80x128xi32, #tpu.memory_space<vmem>>) target_semaphore(%run_scoped3A : memref<!tpu.dma_semaphore, #tpu.memory_space<semaphore_mem>>)
      %dma_wait3A = arith.constant 0 : i32
      %dma_wait3A_16 = arith.constant 0 : i32
      %dma_wait3A_17 = tpu.memref_slice %arg3[%add3A, %dma_wait3A, %dma_wait3A_16] : memref<32x80x128xi32, #tpu.memory_space<hbm>> -> memref<1x80x128xi32, #tpu.memory_space<hbm>>
      %dma_wait3A_18 = tpu.memref_squeeze %dma_wait3A_17 : memref<1x80x128xi32, #tpu.memory_space<hbm>> -> memref<80x128xi32, #tpu.memory_space<hbm>>
      %dma_wait3A_19 = arith.constant 0 : i32
      %dma_wait3A_20 = arith.constant 0 : i32
      %dma_wait3A_21 = tpu.memref_slice %arg3[%add3A, %dma_wait3A_19, %dma_wait3A_20] : memref<32x80x128xi32, #tpu.memory_space<hbm>> -> memref<1x80x128xi32, #tpu.memory_space<hbm>>
      %dma_wait3A_22 = tpu.memref_squeeze %dma_wait3A_21 : memref<1x80x128xi32, #tpu.memory_space<hbm>> -> memref<80x128xi32, #tpu.memory_space<hbm>>
      tpu.wait_dma2 semaphore(%run_scoped3A : memref<!tpu.dma_semaphore, #tpu.memory_space<semaphore_mem>>) src(%dma_wait3A_22 : memref<80x128xi32, #tpu.memory_space<hbm>>) dst(%arg7 : memref<80x128xi32, #tpu.memory_space<vmem>>)
      tpu.yield
    }) : () -> ()
    "tpu.region"() ({
      %run_scoped3A = tpu.sem_alloc : memref<!tpu.dma_semaphore, #tpu.memory_space<semaphore_mem>>
      %dma_start3A = arith.constant 0 : i32
      %dma_start3A_9 = arith.constant 0 : i32
      %dma_start3A_10 = tpu.memref_slice %arg4[%add3A, %dma_start3A, %dma_start3A_9] : memref<32x80x128xi32, #tpu.memory_space<hbm>> -> memref<1x80x128xi32, #tpu.memory_space<hbm>>
      %dma_start3A_11 = tpu.memref_squeeze %dma_start3A_10 : memref<1x80x128xi32, #tpu.memory_space<hbm>> -> memref<80x128xi32, #tpu.memory_space<hbm>>
      %dma_start3A_12 = arith.constant 0 : i32
      %dma_start3A_13 = arith.constant 0 : i32
      %dma_start3A_14 = tpu.memref_slice %arg4[%add3A, %dma_start3A_12, %dma_start3A_13] : memref<32x80x128xi32, #tpu.memory_space<hbm>> -> memref<1x80x128xi32, #tpu.memory_space<hbm>>
      %dma_start3A_15 = tpu.memref_squeeze %dma_start3A_14 : memref<1x80x128xi32, #tpu.memory_space<hbm>> -> memref<80x128xi32, #tpu.memory_space<hbm>>
      tpu.enqueue_dma source(%dma_start3A_15 : memref<80x128xi32, #tpu.memory_space<hbm>>) target(%arg8 : memref<80x128xi32, #tpu.memory_space<vmem>>) target_semaphore(%run_scoped3A : memref<!tpu.dma_semaphore, #tpu.memory_space<semaphore_mem>>)
      %dma_wait3A = arith.constant 0 : i32
      %dma_wait3A_16 = arith.constant 0 : i32
      %dma_wait3A_17 = tpu.memref_slice %arg4[%add3A, %dma_wait3A, %dma_wait3A_16] : memref<32x80x128xi32, #tpu.memory_space<hbm>> -> memref<1x80x128xi32, #tpu.memory_space<hbm>>
      %dma_wait3A_18 = tpu.memref_squeeze %dma_wait3A_17 : memref<1x80x128xi32, #tpu.memory_space<hbm>> -> memref<80x128xi32, #tpu.memory_space<hbm>>
      %dma_wait3A_19 = arith.constant 0 : i32
      %dma_wait3A_20 = arith.constant 0 : i32
      %dma_wait3A_21 = tpu.memref_slice %arg4[%add3A, %dma_wait3A_19, %dma_wait3A_20] : memref<32x80x128xi32, #tpu.memory_space<hbm>> -> memref<1x80x128xi32, #tpu.memory_space<hbm>>
      %dma_wait3A_22 = tpu.memref_squeeze %dma_wait3A_21 : memref<1x80x128xi32, #tpu.memory_space<hbm>> -> memref<80x128xi32, #tpu.memory_space<hbm>>
      tpu.wait_dma2 semaphore(%run_scoped3A : memref<!tpu.dma_semaphore, #tpu.memory_space<semaphore_mem>>) src(%dma_wait3A_22 : memref<80x128xi32, #tpu.memory_space<hbm>>) dst(%arg8 : memref<80x128xi32, #tpu.memory_space<vmem>>)
      tpu.yield
    }) : () -> ()
    %scan3A = arith.constant 0 : i32
    %scan3A_3 = arith.constant 0 : i32
    %scan3A_4 = arith.constant 80 : i32
    %scan3A_5 = arith.addi %scan3A_3, %scan3A_4 : i32
    %scan3A_6 = arith.constant 1 : i32
    scf.for %scan3A_9 = %scan3A_3 to %scan3A_5 step %scan3A_6  : i32 {
      %dma_start3A = arith.constant 0 : i32
      %dma_start3A_10 = tpu.memref_slice %arg7[%scan3A_9, %dma_start3A] : memref<80x128xi32, #tpu.memory_space<vmem>> -> memref<1x128xi32, #tpu.memory_space<vmem>>
      %dma_start3A_11 = tpu.memref_squeeze %dma_start3A_10 : memref<1x128xi32, #tpu.memory_space<vmem>> -> memref<128xi32, #tpu.memory_space<vmem>>
      %dma_start3A_12 = arith.constant 0 : i32
      %dma_start3A_13 = arith.constant 0 : i32
      %dma_start3A_14 = tpu.memref_slice %arg2[%dma_start3A_12, %dma_start3A_13] : memref<10240x128xf32, #tpu.memory_space<hbm>> -> memref<10240x128xf32, #tpu.memory_space<hbm>>
      tpu.enqueue_indirect_dma source(%dma_start3A_14 : memref<10240x128xf32, #tpu.memory_space<hbm>>) target(%arg9 : memref<128x128xf32, #tpu.memory_space<vmem>>) offsets(%dma_start3A_11 : memref<128xi32, #tpu.memory_space<vmem>>) semaphore(%arg11 : memref<!tpu.dma_semaphore, #tpu.memory_space<semaphore_mem>>)
      %dma_wait3A = arith.constant 0 : i32
      %dma_wait3A_15 = tpu.memref_slice %arg7[%scan3A_9, %dma_wait3A] : memref<80x128xi32, #tpu.memory_space<vmem>> -> memref<1x128xi32, #tpu.memory_space<vmem>>
      %dma_wait3A_16 = tpu.memref_squeeze %dma_wait3A_15 : memref<1x128xi32, #tpu.memory_space<vmem>> -> memref<128xi32, #tpu.memory_space<vmem>>
      %dma_wait3A_17 = arith.constant 0 : i32
      %dma_wait3A_18 = arith.constant 0 : i32
      %dma_wait3A_19 = tpu.memref_slice %arg2[%dma_wait3A_17, %dma_wait3A_18] : memref<10240x128xf32, #tpu.memory_space<hbm>> -> memref<10240x128xf32, #tpu.memory_space<hbm>>
      tpu.wait_indirect_dma semaphore(%arg11 : memref<!tpu.dma_semaphore, #tpu.memory_space<semaphore_mem>>) src(%dma_wait3A_19 : memref<10240x128xf32, #tpu.memory_space<hbm>>) dst(%arg9 : memref<128x128xf32, #tpu.memory_space<vmem>>)
      "tpu.region"() ({
        %run_scoped3A = tpu.sem_alloc : memref<!tpu.dma_semaphore, #tpu.memory_space<semaphore_mem>>
        %dma_start3A_20 = arith.constant 0 : i32
        %dma_start3A_21 = tpu.memref_slice %arg8[%scan3A_9, %dma_start3A_20] : memref<80x128xi32, #tpu.memory_space<vmem>> -> memref<1x128xi32, #tpu.memory_space<vmem>>
        %dma_start3A_22 = tpu.memref_squeeze %dma_start3A_21 : memref<1x128xi32, #tpu.memory_space<vmem>> -> memref<128xi32, #tpu.memory_space<vmem>>
        %dma_start3A_23 = arith.constant 0 : i32
        %dma_start3A_24 = arith.constant 0 : i32
        %dma_start3A_25 = tpu.memref_slice %arg10[%dma_start3A_23, %dma_start3A_24] : memref<10112x128xf32, #tpu.memory_space<vmem_shared>> -> memref<10112x128xf32, #tpu.memory_space<vmem_shared>>
        tpu.enqueue_indirect_dma source(%arg9 : memref<128x128xf32, #tpu.memory_space<vmem>>) target(%dma_start3A_25 : memref<10112x128xf32, #tpu.memory_space<vmem_shared>>) offsets(%dma_start3A_22 : memref<128xi32, #tpu.memory_space<vmem>>) semaphore(%run_scoped3A : memref<!tpu.dma_semaphore, #tpu.memory_space<semaphore_mem>>) {add = true}
        %dma_wait3A_26 = arith.constant 0 : i32
        %dma_wait3A_27 = tpu.memref_slice %arg8[%scan3A_9, %dma_wait3A_26] : memref<80x128xi32, #tpu.memory_space<vmem>> -> memref<1x128xi32, #tpu.memory_space<vmem>>
        %dma_wait3A_28 = tpu.memref_squeeze %dma_wait3A_27 : memref<1x128xi32, #tpu.memory_space<vmem>> -> memref<128xi32, #tpu.memory_space<vmem>>
        %dma_wait3A_29 = arith.constant 0 : i32
        %dma_wait3A_30 = arith.constant 0 : i32
        %dma_wait3A_31 = tpu.memref_slice %arg10[%dma_wait3A_29, %dma_wait3A_30] : memref<10112x128xf32, #tpu.memory_space<vmem_shared>> -> memref<10112x128xf32, #tpu.memory_space<vmem_shared>>
        tpu.wait_indirect_dma semaphore(%run_scoped3A : memref<!tpu.dma_semaphore, #tpu.memory_space<semaphore_mem>>) src(%arg9 : memref<128x128xf32, #tpu.memory_space<vmem>>) dst(%dma_wait3A_31 : memref<10112x128xf32, #tpu.memory_space<vmem_shared>>)
        tpu.yield
      }) : () -> ()
    }
    %scan3A_7 = arith.constant 80 : i32
    %barrier3A_8 = arith.constant 0 : index
    tpu.barrier barrier_id(%barrier3A_8)
    "tpu.region"() ({
      %run_scoped3A = tpu.sem_alloc : memref<!tpu.dma_semaphore, #tpu.memory_space<semaphore_mem>>
      %dma_start3A = arith.constant 0 : i32
      %dma_start3A_9 = tpu.memref_slice %arg6[%arg0, %mul3A_2, %dma_start3A] : memref<2x10240x128xf32, #tpu.memory_space<hbm>> -> memref<1x632x128xf32, #tpu.memory_space<hbm>>
      %dma_start3A_10 = tpu.memref_squeeze %dma_start3A_9 : memref<1x632x128xf32, #tpu.memory_space<hbm>> -> memref<632x128xf32, #tpu.memory_space<hbm>>
      %dma_start3A_11 = arith.constant 0 : i32
      %dma_start3A_12 = tpu.memref_slice %arg10[%mul3A_2, %dma_start3A_11] : memref<10112x128xf32, #tpu.memory_space<vmem_shared>> -> memref<632x128xf32, #tpu.memory_space<vmem_shared>>
      tpu.enqueue_dma source(%dma_start3A_12 : memref<632x128xf32, #tpu.memory_space<vmem_shared>>) target(%dma_start3A_10 : memref<632x128xf32, #tpu.memory_space<hbm>>) target_semaphore(%run_scoped3A : memref<!tpu.dma_semaphore, #tpu.memory_space<semaphore_mem>>)
      %dma_wait3A = arith.constant 0 : i32
      %dma_wait3A_13 = tpu.memref_slice %arg6[%arg0, %mul3A_2, %dma_wait3A] : memref<2x10240x128xf32, #tpu.memory_space<hbm>> -> memref<1x632x128xf32, #tpu.memory_space<hbm>>
      %dma_wait3A_14 = tpu.memref_squeeze %dma_wait3A_13 : memref<1x632x128xf32, #tpu.memory_space<hbm>> -> memref<632x128xf32, #tpu.memory_space<hbm>>
      %dma_wait3A_15 = arith.constant 0 : i32
      %dma_wait3A_16 = tpu.memref_slice %arg10[%mul3A_2, %dma_wait3A_15] : memref<10112x128xf32, #tpu.memory_space<vmem_shared>> -> memref<632x128xf32, #tpu.memory_space<vmem_shared>>
      tpu.wait_dma2 semaphore(%run_scoped3A : memref<!tpu.dma_semaphore, #tpu.memory_space<semaphore_mem>>) src(%dma_wait3A_16 : memref<632x128xf32, #tpu.memory_space<vmem_shared>>) dst(%dma_wait3A_14 : memref<632x128xf32, #tpu.memory_space<hbm>>)
      tpu.yield
    }) : () -> ()
    return
  }
}

#map = affine_map<(d0, d1) -> (0, 0)>
#map1 = affine_map<(d0, d1) -> (0, 0, 0)>
module attributes {stable_mosaic.version = 14 : i64} {
  func.func @_agg(%arg0: i32, %arg1: i32, %arg2: memref<10240x128xf32, #tpu.memory_space<hbm>>, %arg3: memref<32x80x128xi32, #tpu.memory_space<hbm>>, %arg4: memref<32x80x128xi32, #tpu.memory_space<hbm>>, %arg5: memref<10240x128xf32, #tpu.memory_space<hbm>>, %arg6: memref<2x10240x128xf32, #tpu.memory_space<hbm>>, %arg7: memref<80x128xi32, #tpu.memory_space<vmem>>, %arg8: memref<80x128xi32, #tpu.memory_space<vmem>>, %arg9: memref<128x128xf32, #tpu.memory_space<vmem>>, %arg10: memref<10112x128xf32, #tpu.memory_space<vmem_shared>>, %arg11: memref<!tpu.dma_semaphore, #tpu.memory_space<semaphore_mem>>) attributes {dimension_semantics = [#tpu.dimension_semantics<core_parallel>, #tpu.dimension_semantics<subcore_parallel>], iteration_bounds = array<i64: 2, 16>, scalar_prefetch = 0 : i64, scratch_operands = 5 : i64, tpu.core_type = #tpu.core_type<sc_vector_subcore>, window_params = [{transform_indices = #map}, {transform_indices = #map1}, {transform_indices = #map1}, {transform_indices = #map}, {transform_indices = #map1}]} {
    %mul3A = arith.constant 16 : i32
    %mul3A_0 = arith.muli %arg0, %mul3A : i32
    %add3A = arith.addi %mul3A_0, %arg1 : i32
    %mul3A_1 = arith.constant 632 : i32
    %mul3A_2 = arith.muli %arg1, %mul3A_1 : i32
    "tpu.region"() ({
      %run_scoped3A = tpu.sem_alloc : memref<!tpu.dma_semaphore, #tpu.memory_space<semaphore_mem>>
      %dma_start3A = arith.constant 0 : i32
      %dma_start3A_9 = tpu.memref_slice %arg10[%mul3A_2, %dma_start3A] : memref<10112x128xf32, #tpu.memory_space<vmem_shared>> -> memref<632x128xf32, #tpu.memory_space<vmem_shared>>
      %dma_start3A_10 = arith.constant 0 : i32
      %dma_start3A_11 = tpu.memref_slice %arg5[%mul3A_2, %dma_start3A_10] : memref<10240x128xf32, #tpu.memory_space<hbm>> -> memref<632x128xf32, #tpu.memory_space<hbm>>
      tpu.enqueue_dma source(%dma_start3A_11 : memref<632x128xf32, #tpu.memory_space<hbm>>) target(%dma_start3A_9 : memref<632x128xf32, #tpu.memory_space<vmem_shared>>) target_semaphore(%run_scoped3A : memref<!tpu.dma_semaphore, #tpu.memory_space<semaphore_mem>>)
      %dma_wait3A = arith.constant 0 : i32
      %dma_wait3A_12 = tpu.memref_slice %arg10[%mul3A_2, %dma_wait3A] : memref<10112x128xf32, #tpu.memory_space<vmem_shared>> -> memref<632x128xf32, #tpu.memory_space<vmem_shared>>
      %dma_wait3A_13 = arith.constant 0 : i32
      %dma_wait3A_14 = tpu.memref_slice %arg5[%mul3A_2, %dma_wait3A_13] : memref<10240x128xf32, #tpu.memory_space<hbm>> -> memref<632x128xf32, #tpu.memory_space<hbm>>
      tpu.wait_dma2 semaphore(%run_scoped3A : memref<!tpu.dma_semaphore, #tpu.memory_space<semaphore_mem>>) src(%dma_wait3A_14 : memref<632x128xf32, #tpu.memory_space<hbm>>) dst(%dma_wait3A_12 : memref<632x128xf32, #tpu.memory_space<vmem_shared>>)
      tpu.yield
    }) : () -> ()
    %barrier3A = arith.constant 0 : index
    tpu.barrier barrier_id(%barrier3A)
    "tpu.region"() ({
      %run_scoped3A = tpu.sem_alloc : memref<!tpu.dma_semaphore, #tpu.memory_space<semaphore_mem>>
      %dma_start3A = arith.constant 0 : i32
      %dma_start3A_9 = arith.constant 0 : i32
      %dma_start3A_10 = tpu.memref_slice %arg3[%add3A, %dma_start3A, %dma_start3A_9] : memref<32x80x128xi32, #tpu.memory_space<hbm>> -> memref<1x80x128xi32, #tpu.memory_space<hbm>>
      %dma_start3A_11 = tpu.memref_squeeze %dma_start3A_10 : memref<1x80x128xi32, #tpu.memory_space<hbm>> -> memref<80x128xi32, #tpu.memory_space<hbm>>
      %dma_start3A_12 = arith.constant 0 : i32
      %dma_start3A_13 = arith.constant 0 : i32
      %dma_start3A_14 = tpu.memref_slice %arg3[%add3A, %dma_start3A_12, %dma_start3A_13] : memref<32x80x128xi32, #tpu.memory_space<hbm>> -> memref<1x80x128xi32, #tpu.memory_space<hbm>>
      %dma_start3A_15 = tpu.memref_squeeze %dma_start3A_14 : memref<1x80x128xi32, #tpu.memory_space<hbm>> -> memref<80x128xi32, #tpu.memory_space<hbm>>
      tpu.enqueue_dma source(%dma_start3A_15 : memref<80x128xi32, #tpu.memory_space<hbm>>) target(%arg7 : memref<80x128xi32, #tpu.memory_space<vmem>>) target_semaphore(%run_scoped3A : memref<!tpu.dma_semaphore, #tpu.memory_space<semaphore_mem>>)
      %dma_wait3A = arith.constant 0 : i32
      %dma_wait3A_16 = arith.constant 0 : i32
      %dma_wait3A_17 = tpu.memref_slice %arg3[%add3A, %dma_wait3A, %dma_wait3A_16] : memref<32x80x128xi32, #tpu.memory_space<hbm>> -> memref<1x80x128xi32, #tpu.memory_space<hbm>>
      %dma_wait3A_18 = tpu.memref_squeeze %dma_wait3A_17 : memref<1x80x128xi32, #tpu.memory_space<hbm>> -> memref<80x128xi32, #tpu.memory_space<hbm>>
      %dma_wait3A_19 = arith.constant 0 : i32
      %dma_wait3A_20 = arith.constant 0 : i32
      %dma_wait3A_21 = tpu.memref_slice %arg3[%add3A, %dma_wait3A_19, %dma_wait3A_20] : memref<32x80x128xi32, #tpu.memory_space<hbm>> -> memref<1x80x128xi32, #tpu.memory_space<hbm>>
      %dma_wait3A_22 = tpu.memref_squeeze %dma_wait3A_21 : memref<1x80x128xi32, #tpu.memory_space<hbm>> -> memref<80x128xi32, #tpu.memory_space<hbm>>
      tpu.wait_dma2 semaphore(%run_scoped3A : memref<!tpu.dma_semaphore, #tpu.memory_space<semaphore_mem>>) src(%dma_wait3A_22 : memref<80x128xi32, #tpu.memory_space<hbm>>) dst(%arg7 : memref<80x128xi32, #tpu.memory_space<vmem>>)
      tpu.yield
    }) : () -> ()
    "tpu.region"() ({
      %run_scoped3A = tpu.sem_alloc : memref<!tpu.dma_semaphore, #tpu.memory_space<semaphore_mem>>
      %dma_start3A = arith.constant 0 : i32
      %dma_start3A_9 = arith.constant 0 : i32
      %dma_start3A_10 = tpu.memref_slice %arg4[%add3A, %dma_start3A, %dma_start3A_9] : memref<32x80x128xi32, #tpu.memory_space<hbm>> -> memref<1x80x128xi32, #tpu.memory_space<hbm>>
      %dma_start3A_11 = tpu.memref_squeeze %dma_start3A_10 : memref<1x80x128xi32, #tpu.memory_space<hbm>> -> memref<80x128xi32, #tpu.memory_space<hbm>>
      %dma_start3A_12 = arith.constant 0 : i32
      %dma_start3A_13 = arith.constant 0 : i32
      %dma_start3A_14 = tpu.memref_slice %arg4[%add3A, %dma_start3A_12, %dma_start3A_13] : memref<32x80x128xi32, #tpu.memory_space<hbm>> -> memref<1x80x128xi32, #tpu.memory_space<hbm>>
      %dma_start3A_15 = tpu.memref_squeeze %dma_start3A_14 : memref<1x80x128xi32, #tpu.memory_space<hbm>> -> memref<80x128xi32, #tpu.memory_space<hbm>>
      tpu.enqueue_dma source(%dma_start3A_15 : memref<80x128xi32, #tpu.memory_space<hbm>>) target(%arg8 : memref<80x128xi32, #tpu.memory_space<vmem>>) target_semaphore(%run_scoped3A : memref<!tpu.dma_semaphore, #tpu.memory_space<semaphore_mem>>)
      %dma_wait3A = arith.constant 0 : i32
      %dma_wait3A_16 = arith.constant 0 : i32
      %dma_wait3A_17 = tpu.memref_slice %arg4[%add3A, %dma_wait3A, %dma_wait3A_16] : memref<32x80x128xi32, #tpu.memory_space<hbm>> -> memref<1x80x128xi32, #tpu.memory_space<hbm>>
      %dma_wait3A_18 = tpu.memref_squeeze %dma_wait3A_17 : memref<1x80x128xi32, #tpu.memory_space<hbm>> -> memref<80x128xi32, #tpu.memory_space<hbm>>
      %dma_wait3A_19 = arith.constant 0 : i32
      %dma_wait3A_20 = arith.constant 0 : i32
      %dma_wait3A_21 = tpu.memref_slice %arg4[%add3A, %dma_wait3A_19, %dma_wait3A_20] : memref<32x80x128xi32, #tpu.memory_space<hbm>> -> memref<1x80x128xi32, #tpu.memory_space<hbm>>
      %dma_wait3A_22 = tpu.memref_squeeze %dma_wait3A_21 : memref<1x80x128xi32, #tpu.memory_space<hbm>> -> memref<80x128xi32, #tpu.memory_space<hbm>>
      tpu.wait_dma2 semaphore(%run_scoped3A : memref<!tpu.dma_semaphore, #tpu.memory_space<semaphore_mem>>) src(%dma_wait3A_22 : memref<80x128xi32, #tpu.memory_space<hbm>>) dst(%arg8 : memref<80x128xi32, #tpu.memory_space<vmem>>)
      tpu.yield
    }) : () -> ()
    %scan3A = arith.constant 0 : i32
    %scan3A_3 = arith.constant 0 : i32
    %scan3A_4 = arith.constant 80 : i32
    %scan3A_5 = arith.addi %scan3A_3, %scan3A_4 : i32
    %scan3A_6 = arith.constant 1 : i32
    scf.for %scan3A_9 = %scan3A_3 to %scan3A_5 step %scan3A_6  : i32 {
      %dma_start3A = arith.constant 0 : i32
      %dma_start3A_10 = tpu.memref_slice %arg7[%scan3A_9, %dma_start3A] : memref<80x128xi32, #tpu.memory_space<vmem>> -> memref<1x128xi32, #tpu.memory_space<vmem>>
      %dma_start3A_11 = tpu.memref_squeeze %dma_start3A_10 : memref<1x128xi32, #tpu.memory_space<vmem>> -> memref<128xi32, #tpu.memory_space<vmem>>
      %dma_start3A_12 = arith.constant 0 : i32
      %dma_start3A_13 = arith.constant 0 : i32
      %dma_start3A_14 = tpu.memref_slice %arg2[%dma_start3A_12, %dma_start3A_13] : memref<10240x128xf32, #tpu.memory_space<hbm>> -> memref<10240x128xf32, #tpu.memory_space<hbm>>
      tpu.enqueue_indirect_dma source(%dma_start3A_14 : memref<10240x128xf32, #tpu.memory_space<hbm>>) target(%arg9 : memref<128x128xf32, #tpu.memory_space<vmem>>) offsets(%dma_start3A_11 : memref<128xi32, #tpu.memory_space<vmem>>) semaphore(%arg11 : memref<!tpu.dma_semaphore, #tpu.memory_space<semaphore_mem>>)
      %dma_wait3A = arith.constant 0 : i32
      %dma_wait3A_15 = tpu.memref_slice %arg7[%scan3A_9, %dma_wait3A] : memref<80x128xi32, #tpu.memory_space<vmem>> -> memref<1x128xi32, #tpu.memory_space<vmem>>
      %dma_wait3A_16 = tpu.memref_squeeze %dma_wait3A_15 : memref<1x128xi32, #tpu.memory_space<vmem>> -> memref<128xi32, #tpu.memory_space<vmem>>
      %dma_wait3A_17 = arith.constant 0 : i32
      %dma_wait3A_18 = arith.constant 0 : i32
      %dma_wait3A_19 = tpu.memref_slice %arg2[%dma_wait3A_17, %dma_wait3A_18] : memref<10240x128xf32, #tpu.memory_space<hbm>> -> memref<10240x128xf32, #tpu.memory_space<hbm>>
      tpu.wait_indirect_dma semaphore(%arg11 : memref<!tpu.dma_semaphore, #tpu.memory_space<semaphore_mem>>) src(%dma_wait3A_19 : memref<10240x128xf32, #tpu.memory_space<hbm>>) dst(%arg9 : memref<128x128xf32, #tpu.memory_space<vmem>>)
      "tpu.region"() ({
        %run_scoped3A = tpu.sem_alloc : memref<!tpu.dma_semaphore, #tpu.memory_space<semaphore_mem>>
        %dma_start3A_20 = arith.constant 0 : i32
        %dma_start3A_21 = tpu.memref_slice %arg8[%scan3A_9, %dma_start3A_20] : memref<80x128xi32, #tpu.memory_space<vmem>> -> memref<1x128xi32, #tpu.memory_space<vmem>>
        %dma_start3A_22 = tpu.memref_squeeze %dma_start3A_21 : memref<1x128xi32, #tpu.memory_space<vmem>> -> memref<128xi32, #tpu.memory_space<vmem>>
        %dma_start3A_23 = arith.constant 0 : i32
        %dma_start3A_24 = arith.constant 0 : i32
        %dma_start3A_25 = tpu.memref_slice %arg10[%dma_start3A_23, %dma_start3A_24] : memref<10112x128xf32, #tpu.memory_space<vmem_shared>> -> memref<10112x128xf32, #tpu.memory_space<vmem_shared>>
        tpu.enqueue_indirect_dma source(%arg9 : memref<128x128xf32, #tpu.memory_space<vmem>>) target(%dma_start3A_25 : memref<10112x128xf32, #tpu.memory_space<vmem_shared>>) offsets(%dma_start3A_22 : memref<128xi32, #tpu.memory_space<vmem>>) semaphore(%run_scoped3A : memref<!tpu.dma_semaphore, #tpu.memory_space<semaphore_mem>>) {add = true}
        %dma_wait3A_26 = arith.constant 0 : i32
        %dma_wait3A_27 = tpu.memref_slice %arg8[%scan3A_9, %dma_wait3A_26] : memref<80x128xi32, #tpu.memory_space<vmem>> -> memref<1x128xi32, #tpu.memory_space<vmem>>
        %dma_wait3A_28 = tpu.memref_squeeze %dma_wait3A_27 : memref<1x128xi32, #tpu.memory_space<vmem>> -> memref<128xi32, #tpu.memory_space<vmem>>
        %dma_wait3A_29 = arith.constant 0 : i32
        %dma_wait3A_30 = arith.constant 0 : i32
        %dma_wait3A_31 = tpu.memref_slice %arg10[%dma_wait3A_29, %dma_wait3A_30] : memref<10112x128xf32, #tpu.memory_space<vmem_shared>> -> memref<10112x128xf32, #tpu.memory_space<vmem_shared>>
        tpu.wait_indirect_dma semaphore(%run_scoped3A : memref<!tpu.dma_semaphore, #tpu.memory_space<semaphore_mem>>) src(%arg9 : memref<128x128xf32, #tpu.memory_space<vmem>>) dst(%dma_wait3A_31 : memref<10112x128xf32, #tpu.memory_space<vmem_shared>>)
        tpu.yield
      }) : () -> ()
    }
    %scan3A_7 = arith.constant 80 : i32
    %barrier3A_8 = arith.constant 0 : index
    tpu.barrier barrier_id(%barrier3A_8)
    "tpu.region"() ({
      %run_scoped3A = tpu.sem_alloc : memref<!tpu.dma_semaphore, #tpu.memory_space<semaphore_mem>>
      %dma_start3A = arith.constant 0 : i32
      %dma_start3A_9 = tpu.memref_slice %arg6[%arg0, %mul3A_2, %dma_start3A] : memref<2x10240x128xf32, #tpu.memory_space<hbm>> -> memref<1x632x128xf32, #tpu.memory_space<hbm>>
      %dma_start3A_10 = tpu.memref_squeeze %dma_start3A_9 : memref<1x632x128xf32, #tpu.memory_space<hbm>> -> memref<632x128xf32, #tpu.memory_space<hbm>>
      %dma_start3A_11 = arith.constant 0 : i32
      %dma_start3A_12 = tpu.memref_slice %arg10[%mul3A_2, %dma_start3A_11] : memref<10112x128xf32, #tpu.memory_space<vmem_shared>> -> memref<632x128xf32, #tpu.memory_space<vmem_shared>>
      tpu.enqueue_dma source(%dma_start3A_12 : memref<632x128xf32, #tpu.memory_space<vmem_shared>>) target(%dma_start3A_10 : memref<632x128xf32, #tpu.memory_space<hbm>>) target_semaphore(%run_scoped3A : memref<!tpu.dma_semaphore, #tpu.memory_space<semaphore_mem>>)
      %dma_wait3A = arith.constant 0 : i32
      %dma_wait3A_13 = tpu.memref_slice %arg6[%arg0, %mul3A_2, %dma_wait3A] : memref<2x10240x128xf32, #tpu.memory_space<hbm>> -> memref<1x632x128xf32, #tpu.memory_space<hbm>>
      %dma_wait3A_14 = tpu.memref_squeeze %dma_wait3A_13 : memref<1x632x128xf32, #tpu.memory_space<hbm>> -> memref<632x128xf32, #tpu.memory_space<hbm>>
      %dma_wait3A_15 = arith.constant 0 : i32
      %dma_wait3A_16 = tpu.memref_slice %arg10[%mul3A_2, %dma_wait3A_15] : memref<10112x128xf32, #tpu.memory_space<vmem_shared>> -> memref<632x128xf32, #tpu.memory_space<vmem_shared>>
      tpu.wait_dma2 semaphore(%run_scoped3A : memref<!tpu.dma_semaphore, #tpu.memory_space<semaphore_mem>>) src(%dma_wait3A_16 : memref<632x128xf32, #tpu.memory_space<vmem_shared>>) dst(%dma_wait3A_14 : memref<632x128xf32, #tpu.memory_space<hbm>>)
      tpu.yield
    }) : () -> ()
    return
  }
}

#map = affine_map<(d0, d1) -> (0, 0, 0, 0)>
#map1 = affine_map<(d0, d1) -> (0, 0)>
#map2 = affine_map<(d0, d1) -> (0, 0, 0)>
module attributes {stable_mosaic.version = 14 : i64} {
  func.func @_deg_kernel(%arg0: i32, %arg1: i32, %arg2: memref<2x32x79x128xi32, #tpu.memory_space<hbm>>, %arg3: memref<128x128xf32, #tpu.memory_space<hbm>>, %arg4: memref<10240x128xf32, #tpu.memory_space<hbm>>, %arg5: memref<2x10240x128xf32, #tpu.memory_space<hbm>>, %arg6: memref<2x79x128xi32, #tpu.memory_space<vmem>>, %arg7: memref<128x128xf32, #tpu.memory_space<vmem>>, %arg8: memref<10112x128xf32, #tpu.memory_space<vmem_shared>>) attributes {dimension_semantics = [#tpu.dimension_semantics<core_parallel>, #tpu.dimension_semantics<subcore_parallel>], iteration_bounds = array<i64: 2, 16>, scalar_prefetch = 0 : i64, scratch_operands = 3 : i64, tpu.core_type = #tpu.core_type<sc_vector_subcore>, window_params = [{transform_indices = #map}, {transform_indices = #map1}, {transform_indices = #map1}, {transform_indices = #map2}]} {
    "tpu.region"() ({
      %run_scoped3A = tpu.sem_alloc : memref<!tpu.dma_semaphore, #tpu.memory_space<semaphore_mem>>
      tpu.enqueue_dma source(%arg3 : memref<128x128xf32, #tpu.memory_space<hbm>>) target(%arg7 : memref<128x128xf32, #tpu.memory_space<vmem>>) target_semaphore(%run_scoped3A : memref<!tpu.dma_semaphore, #tpu.memory_space<semaphore_mem>>)
      tpu.wait_dma2 semaphore(%run_scoped3A : memref<!tpu.dma_semaphore, #tpu.memory_space<semaphore_mem>>) src(%arg3 : memref<128x128xf32, #tpu.memory_space<hbm>>) dst(%arg7 : memref<128x128xf32, #tpu.memory_space<vmem>>)
      tpu.yield
    }) : () -> ()
    %mul3A = arith.constant 2 : i32
    %mul3A_0 = arith.muli %arg1, %mul3A : i32
    "tpu.region"() ({
      %run_scoped3A = tpu.sem_alloc : memref<!tpu.dma_semaphore, #tpu.memory_space<semaphore_mem>>
      %dma_start3A = arith.constant 0 : i32
      %dma_start3A_9 = arith.constant 0 : i32
      %dma_start3A_10 = tpu.memref_slice %arg2[%arg0, %mul3A_0, %dma_start3A, %dma_start3A_9] : memref<2x32x79x128xi32, #tpu.memory_space<hbm>> -> memref<1x2x79x128xi32, #tpu.memory_space<hbm>>
      %dma_start3A_11 = tpu.memref_squeeze %dma_start3A_10 : memref<1x2x79x128xi32, #tpu.memory_space<hbm>> -> memref<2x79x128xi32, #tpu.memory_space<hbm>>
      %dma_start3A_12 = arith.constant 0 : i32
      %dma_start3A_13 = arith.constant 0 : i32
      %dma_start3A_14 = tpu.memref_slice %arg2[%arg0, %mul3A_0, %dma_start3A_12, %dma_start3A_13] : memref<2x32x79x128xi32, #tpu.memory_space<hbm>> -> memref<1x2x79x128xi32, #tpu.memory_space<hbm>>
      %dma_start3A_15 = tpu.memref_squeeze %dma_start3A_14 : memref<1x2x79x128xi32, #tpu.memory_space<hbm>> -> memref<2x79x128xi32, #tpu.memory_space<hbm>>
      tpu.enqueue_dma source(%dma_start3A_15 : memref<2x79x128xi32, #tpu.memory_space<hbm>>) target(%arg6 : memref<2x79x128xi32, #tpu.memory_space<vmem>>) target_semaphore(%run_scoped3A : memref<!tpu.dma_semaphore, #tpu.memory_space<semaphore_mem>>)
      %dma_wait3A = arith.constant 0 : i32
      %dma_wait3A_16 = arith.constant 0 : i32
      %dma_wait3A_17 = tpu.memref_slice %arg2[%arg0, %mul3A_0, %dma_wait3A, %dma_wait3A_16] : memref<2x32x79x128xi32, #tpu.memory_space<hbm>> -> memref<1x2x79x128xi32, #tpu.memory_space<hbm>>
      %dma_wait3A_18 = tpu.memref_squeeze %dma_wait3A_17 : memref<1x2x79x128xi32, #tpu.memory_space<hbm>> -> memref<2x79x128xi32, #tpu.memory_space<hbm>>
      %dma_wait3A_19 = arith.constant 0 : i32
      %dma_wait3A_20 = arith.constant 0 : i32
      %dma_wait3A_21 = tpu.memref_slice %arg2[%arg0, %mul3A_0, %dma_wait3A_19, %dma_wait3A_20] : memref<2x32x79x128xi32, #tpu.memory_space<hbm>> -> memref<1x2x79x128xi32, #tpu.memory_space<hbm>>
      %dma_wait3A_22 = tpu.memref_squeeze %dma_wait3A_21 : memref<1x2x79x128xi32, #tpu.memory_space<hbm>> -> memref<2x79x128xi32, #tpu.memory_space<hbm>>
      tpu.wait_dma2 semaphore(%run_scoped3A : memref<!tpu.dma_semaphore, #tpu.memory_space<semaphore_mem>>) src(%dma_wait3A_22 : memref<2x79x128xi32, #tpu.memory_space<hbm>>) dst(%arg6 : memref<2x79x128xi32, #tpu.memory_space<vmem>>)
      tpu.yield
    }) : () -> ()
    %mul3A_1 = arith.constant 632 : i32
    %mul3A_2 = arith.muli %arg1, %mul3A_1 : i32
    "tpu.region"() ({
      %run_scoped3A = tpu.sem_alloc : memref<!tpu.dma_semaphore, #tpu.memory_space<semaphore_mem>>
      %dma_start3A = arith.constant 0 : i32
      %dma_start3A_9 = tpu.memref_slice %arg8[%mul3A_2, %dma_start3A] : memref<10112x128xf32, #tpu.memory_space<vmem_shared>> -> memref<632x128xf32, #tpu.memory_space<vmem_shared>>
      %dma_start3A_10 = arith.constant 0 : i32
      %dma_start3A_11 = tpu.memref_slice %arg4[%mul3A_2, %dma_start3A_10] : memref<10240x128xf32, #tpu.memory_space<hbm>> -> memref<632x128xf32, #tpu.memory_space<hbm>>
      tpu.enqueue_dma source(%dma_start3A_11 : memref<632x128xf32, #tpu.memory_space<hbm>>) target(%dma_start3A_9 : memref<632x128xf32, #tpu.memory_space<vmem_shared>>) target_semaphore(%run_scoped3A : memref<!tpu.dma_semaphore, #tpu.memory_space<semaphore_mem>>)
      %dma_wait3A = arith.constant 0 : i32
      %dma_wait3A_12 = tpu.memref_slice %arg8[%mul3A_2, %dma_wait3A] : memref<10112x128xf32, #tpu.memory_space<vmem_shared>> -> memref<632x128xf32, #tpu.memory_space<vmem_shared>>
      %dma_wait3A_13 = arith.constant 0 : i32
      %dma_wait3A_14 = tpu.memref_slice %arg4[%mul3A_2, %dma_wait3A_13] : memref<10240x128xf32, #tpu.memory_space<hbm>> -> memref<632x128xf32, #tpu.memory_space<hbm>>
      tpu.wait_dma2 semaphore(%run_scoped3A : memref<!tpu.dma_semaphore, #tpu.memory_space<semaphore_mem>>) src(%dma_wait3A_14 : memref<632x128xf32, #tpu.memory_space<hbm>>) dst(%dma_wait3A_12 : memref<632x128xf32, #tpu.memory_space<vmem_shared>>)
      tpu.yield
    }) : () -> ()
    %barrier3A = arith.constant 0 : index
    tpu.barrier barrier_id(%barrier3A)
    %scan3A = arith.constant 0 : i32
    %scan3A_3 = arith.constant 0 : i32
    %scan3A_4 = arith.constant 79 : i32
    %scan3A_5 = arith.addi %scan3A_3, %scan3A_4 : i32
    %scan3A_6 = arith.constant 1 : i32
    scf.for %scan3A_9 = %scan3A_3 to %scan3A_5 step %scan3A_6  : i32 {
      %run_scoped3A = arith.constant 0 : i32
      "tpu.region"() ({
        %run_scoped3A_11 = tpu.sem_alloc : memref<!tpu.dma_semaphore, #tpu.memory_space<semaphore_mem>>
        %dma_start3A = arith.constant 0 : i32
        %dma_start3A_12 = tpu.memref_slice %arg6[%run_scoped3A, %scan3A_9, %dma_start3A] : memref<2x79x128xi32, #tpu.memory_space<vmem>> -> memref<1x1x128xi32, #tpu.memory_space<vmem>>
        %dma_start3A_13 = tpu.memref_squeeze %dma_start3A_12 : memref<1x1x128xi32, #tpu.memory_space<vmem>> -> memref<128xi32, #tpu.memory_space<vmem>>
        %dma_start3A_14 = arith.constant 0 : i32
        %dma_start3A_15 = arith.constant 0 : i32
        %dma_start3A_16 = tpu.memref_slice %arg8[%dma_start3A_14, %dma_start3A_15] : memref<10112x128xf32, #tpu.memory_space<vmem_shared>> -> memref<10112x128xf32, #tpu.memory_space<vmem_shared>>
        tpu.enqueue_indirect_dma source(%arg7 : memref<128x128xf32, #tpu.memory_space<vmem>>) target(%dma_start3A_16 : memref<10112x128xf32, #tpu.memory_space<vmem_shared>>) offsets(%dma_start3A_13 : memref<128xi32, #tpu.memory_space<vmem>>) semaphore(%run_scoped3A_11 : memref<!tpu.dma_semaphore, #tpu.memory_space<semaphore_mem>>) {add = true}
        %dma_wait3A = arith.constant 0 : i32
        %dma_wait3A_17 = tpu.memref_slice %arg6[%run_scoped3A, %scan3A_9, %dma_wait3A] : memref<2x79x128xi32, #tpu.memory_space<vmem>> -> memref<1x1x128xi32, #tpu.memory_space<vmem>>
        %dma_wait3A_18 = tpu.memref_squeeze %dma_wait3A_17 : memref<1x1x128xi32, #tpu.memory_space<vmem>> -> memref<128xi32, #tpu.memory_space<vmem>>
        %dma_wait3A_19 = arith.constant 0 : i32
        %dma_wait3A_20 = arith.constant 0 : i32
        %dma_wait3A_21 = tpu.memref_slice %arg8[%dma_wait3A_19, %dma_wait3A_20] : memref<10112x128xf32, #tpu.memory_space<vmem_shared>> -> memref<10112x128xf32, #tpu.memory_space<vmem_shared>>
        tpu.wait_indirect_dma semaphore(%run_scoped3A_11 : memref<!tpu.dma_semaphore, #tpu.memory_space<semaphore_mem>>) src(%arg7 : memref<128x128xf32, #tpu.memory_space<vmem>>) dst(%dma_wait3A_21 : memref<10112x128xf32, #tpu.memory_space<vmem_shared>>)
        tpu.yield
      }) : () -> ()
      %run_scoped3A_10 = arith.constant 1 : i32
      "tpu.region"() ({
        %run_scoped3A_11 = tpu.sem_alloc : memref<!tpu.dma_semaphore, #tpu.memory_space<semaphore_mem>>
        %dma_start3A = arith.constant 0 : i32
        %dma_start3A_12 = tpu.memref_slice %arg6[%run_scoped3A_10, %scan3A_9, %dma_start3A] : memref<2x79x128xi32, #tpu.memory_space<vmem>> -> memref<1x1x128xi32, #tpu.memory_space<vmem>>
        %dma_start3A_13 = tpu.memref_squeeze %dma_start3A_12 : memref<1x1x128xi32, #tpu.memory_space<vmem>> -> memref<128xi32, #tpu.memory_space<vmem>>
        %dma_start3A_14 = arith.constant 0 : i32
        %dma_start3A_15 = arith.constant 0 : i32
        %dma_start3A_16 = tpu.memref_slice %arg8[%dma_start3A_14, %dma_start3A_15] : memref<10112x128xf32, #tpu.memory_space<vmem_shared>> -> memref<10112x128xf32, #tpu.memory_space<vmem_shared>>
        tpu.enqueue_indirect_dma source(%arg7 : memref<128x128xf32, #tpu.memory_space<vmem>>) target(%dma_start3A_16 : memref<10112x128xf32, #tpu.memory_space<vmem_shared>>) offsets(%dma_start3A_13 : memref<128xi32, #tpu.memory_space<vmem>>) semaphore(%run_scoped3A_11 : memref<!tpu.dma_semaphore, #tpu.memory_space<semaphore_mem>>) {add = true}
        %dma_wait3A = arith.constant 0 : i32
        %dma_wait3A_17 = tpu.memref_slice %arg6[%run_scoped3A_10, %scan3A_9, %dma_wait3A] : memref<2x79x128xi32, #tpu.memory_space<vmem>> -> memref<1x1x128xi32, #tpu.memory_space<vmem>>
        %dma_wait3A_18 = tpu.memref_squeeze %dma_wait3A_17 : memref<1x1x128xi32, #tpu.memory_space<vmem>> -> memref<128xi32, #tpu.memory_space<vmem>>
        %dma_wait3A_19 = arith.constant 0 : i32
        %dma_wait3A_20 = arith.constant 0 : i32
        %dma_wait3A_21 = tpu.memref_slice %arg8[%dma_wait3A_19, %dma_wait3A_20] : memref<10112x128xf32, #tpu.memory_space<vmem_shared>> -> memref<10112x128xf32, #tpu.memory_space<vmem_shared>>
        tpu.wait_indirect_dma semaphore(%run_scoped3A_11 : memref<!tpu.dma_semaphore, #tpu.memory_space<semaphore_mem>>) src(%arg7 : memref<128x128xf32, #tpu.memory_space<vmem>>) dst(%dma_wait3A_21 : memref<10112x128xf32, #tpu.memory_space<vmem_shared>>)
        tpu.yield
      }) : () -> ()
    }
    %scan3A_7 = arith.constant 79 : i32
    %barrier3A_8 = arith.constant 0 : index
    tpu.barrier barrier_id(%barrier3A_8)
    "tpu.region"() ({
      %run_scoped3A = tpu.sem_alloc : memref<!tpu.dma_semaphore, #tpu.memory_space<semaphore_mem>>
      %dma_start3A = arith.constant 0 : i32
      %dma_start3A_9 = tpu.memref_slice %arg5[%arg0, %mul3A_2, %dma_start3A] : memref<2x10240x128xf32, #tpu.memory_space<hbm>> -> memref<1x632x128xf32, #tpu.memory_space<hbm>>
      %dma_start3A_10 = tpu.memref_squeeze %dma_start3A_9 : memref<1x632x128xf32, #tpu.memory_space<hbm>> -> memref<632x128xf32, #tpu.memory_space<hbm>>
      %dma_start3A_11 = arith.constant 0 : i32
      %dma_start3A_12 = tpu.memref_slice %arg8[%mul3A_2, %dma_start3A_11] : memref<10112x128xf32, #tpu.memory_space<vmem_shared>> -> memref<632x128xf32, #tpu.memory_space<vmem_shared>>
      tpu.enqueue_dma source(%dma_start3A_12 : memref<632x128xf32, #tpu.memory_space<vmem_shared>>) target(%dma_start3A_10 : memref<632x128xf32, #tpu.memory_space<hbm>>) target_semaphore(%run_scoped3A : memref<!tpu.dma_semaphore, #tpu.memory_space<semaphore_mem>>)
      %dma_wait3A = arith.constant 0 : i32
      %dma_wait3A_13 = tpu.memref_slice %arg5[%arg0, %mul3A_2, %dma_wait3A] : memref<2x10240x128xf32, #tpu.memory_space<hbm>> -> memref<1x632x128xf32, #tpu.memory_space<hbm>>
      %dma_wait3A_14 = tpu.memref_squeeze %dma_wait3A_13 : memref<1x632x128xf32, #tpu.memory_space<hbm>> -> memref<632x128xf32, #tpu.memory_space<hbm>>
      %dma_wait3A_15 = arith.constant 0 : i32
      %dma_wait3A_16 = tpu.memref_slice %arg8[%mul3A_2, %dma_wait3A_15] : memref<10112x128xf32, #tpu.memory_space<vmem_shared>> -> memref<632x128xf32, #tpu.memory_space<vmem_shared>>
      tpu.wait_dma2 semaphore(%run_scoped3A : memref<!tpu.dma_semaphore, #tpu.memory_space<semaphore_mem>>) src(%dma_wait3A_16 : memref<632x128xf32, #tpu.memory_space<vmem_shared>>) dst(%dma_wait3A_14 : memref<632x128xf32, #tpu.memory_space<hbm>>)
      tpu.yield
    }) : () -> ()
    return
  }
}

module attributes {stable_mosaic.version = 14 : i64} {
  func.func @_tc_a_body(%arg0: i32, %arg1: memref<1024x128xf32, #tpu.memory_space<vmem>>, %arg2: memref<2x1024x128xf32, #tpu.memory_space<vmem>>, %arg3: memref<128x128xf32, #tpu.memory_space<vmem>>, %arg4: memref<1024x128xf32, #tpu.memory_space<vmem>>) attributes {dimension_semantics = [#tpu.dimension_semantics<arbitrary>], iteration_bounds = array<i64: 10>, scalar_prefetch = 0 : i64, scratch_operands = 0 : i64, tpu.core_type = #tpu.core_type<tc>, window_params = [{transform_indices = @transform_0, window_bounds = array<i64: 1024, 128>}, {transform_indices = @transform_1, window_bounds = array<i64: 2, 1024, 128>}, {pipeline_mode = #tpu.pipeline_mode<synchronous>, transform_indices = @transform_2, window_bounds = array<i64: 128, 128>}, {transform_indices = @transform_3, window_bounds = array<i64: 1024, 128>}]} {
    %get3A = arith.constant 0 : index
    %get3A_0 = arith.constant 0 : index
    %get3A_1 = arith.constant 0 : index
    %get3A_2 = vector.load %arg2[%get3A, %get3A_0, %get3A_1] : memref<2x1024x128xf32, #tpu.memory_space<vmem>>, vector<2x1024x128xf32>
    %slice3A = vector.extract_strided_slice %get3A_2 {offsets = [0, 0, 0], sizes = [1, 1024, 128], strides = [1, 1, 1]} : vector<2x1024x128xf32> to vector<1x1024x128xf32>
    %squeeze3A = vector.shape_cast %slice3A : vector<1x1024x128xf32> to vector<1024x128xf32>
    %max3A = arith.constant 1.000000e+00 : f32
    %max3A_3 = vector.broadcast %max3A : f32 to vector<1024x128xf32>
    %max3A_4 = arith.maximumf %squeeze3A, %max3A_3 : vector<1024x128xf32>
    %rsqrt3A = math.rsqrt %max3A_4 : vector<1024x128xf32>
    %slice3A_5 = vector.extract_strided_slice %rsqrt3A {offsets = [0, 0], sizes = [1024, 1], strides = [1, 1]} : vector<1024x128xf32> to vector<1024x1xf32>
    %get3A_6 = arith.constant 0 : index
    %get3A_7 = arith.constant 0 : index
    %get3A_8 = vector.load %arg1[%get3A_6, %get3A_7] : memref<1024x128xf32, #tpu.memory_space<vmem>>, vector<1024x128xf32>
    %mul3A = vector.broadcast %slice3A_5 : vector<1024x1xf32> to vector<1024x128xf32>
    %mul3A_9 = arith.mulf %get3A_8, %mul3A : vector<1024x128xf32>
    %get3A_10 = arith.constant 0 : index
    %get3A_11 = arith.constant 0 : index
    %get3A_12 = vector.load %arg3[%get3A_10, %get3A_11] : memref<128x128xf32, #tpu.memory_space<vmem>>, vector<128x128xf32>
    %dot_general3A = arith.constant dense<0.000000e+00> : vector<1024x128xf32>
    %dot_general3A_13 = tpu.matmul %mul3A_9, %get3A_12, %dot_general3A {dimension_numbers = #tpu.dot_dimension_numbers<[1], [0], [0], [1], [0, 0, 1, 1], [], []>, transpose_lhs_hint = false} : vector<1024x128xf32>, vector<128x128xf32>, vector<1024x128xf32> -> vector<1024x128xf32>
    %swap3A = arith.constant 0 : index
    %swap3A_14 = arith.constant 0 : index
    %swap3A_15 = vector.load %arg4[%swap3A, %swap3A_14] : memref<1024x128xf32, #tpu.memory_space<vmem>>, vector<1024x128xf32>
    tpu.vector_store %arg4[%swap3A, %swap3A_14], %dot_general3A_13 {strides = array<i32>} : memref<1024x128xf32, #tpu.memory_space<vmem>>, vector<1024x128xf32>,
    return
  }
  func.func @transform_0(%arg0: i32) -> (i32, i32) {
    %c0_i32 = arith.constant 0 : i32
    %c0_i32_0 = arith.constant 0 : i32
    return %arg0, %c0_i32 : i32, i32
  }
  func.func @transform_1(%arg0: i32) -> (i32, i32, i32) {
    %c0_i32 = arith.constant 0 : i32
    %c0_i32_0 = arith.constant 0 : i32
    %c0_i32_1 = arith.constant 0 : i32
    return %c0_i32, %arg0, %c0_i32_0 : i32, i32, i32
  }
  func.func @transform_2(%arg0: i32) -> (i32, i32) {
    %c0_i32 = arith.constant 0 : i32
    %c0_i32_0 = arith.constant 0 : i32
    %c0_i32_1 = arith.constant 0 : i32
    return %c0_i32, %c0_i32_0 : i32, i32
  }
  func.func @transform_3(%arg0: i32) -> (i32, i32) {
    %c0_i32 = arith.constant 0 : i32
    %c0_i32_0 = arith.constant 0 : i32
    return %arg0, %c0_i32 : i32, i32
  }
}

module attributes {stable_mosaic.version = 14 : i64} {
  func.func @_tc_b_body(%arg0: i32, %arg1: memref<2x1024x128xf32, #tpu.memory_space<vmem>>, %arg2: memref<2x1024x128xf32, #tpu.memory_space<vmem>>, %arg3: memref<1x128xf32, #tpu.memory_space<vmem>>, %arg4: memref<128x128xf32, #tpu.memory_space<vmem>>, %arg5: memref<1024x128xf32, #tpu.memory_space<vmem>>) attributes {dimension_semantics = [#tpu.dimension_semantics<arbitrary>], iteration_bounds = array<i64: 10>, scalar_prefetch = 0 : i64, scratch_operands = 0 : i64, tpu.core_type = #tpu.core_type<tc>, window_params = [{transform_indices = @transform_0, window_bounds = array<i64: 2, 1024, 128>}, {transform_indices = @transform_1, window_bounds = array<i64: 2, 1024, 128>}, {pipeline_mode = #tpu.pipeline_mode<synchronous>, transform_indices = @transform_2, window_bounds = array<i64: 1, 128>}, {pipeline_mode = #tpu.pipeline_mode<synchronous>, transform_indices = @transform_3, window_bounds = array<i64: 128, 128>}, {transform_indices = @transform_4, window_bounds = array<i64: 1024, 128>}]} {
    %get3A = arith.constant 0 : index
    %get3A_0 = arith.constant 0 : index
    %get3A_1 = arith.constant 0 : index
    %get3A_2 = vector.load %arg2[%get3A, %get3A_0, %get3A_1] : memref<2x1024x128xf32, #tpu.memory_space<vmem>>, vector<2x1024x128xf32>
    %slice3A = vector.extract_strided_slice %get3A_2 {offsets = [0, 0, 0], sizes = [1, 1024, 128], strides = [1, 1, 1]} : vector<2x1024x128xf32> to vector<1x1024x128xf32>
    %squeeze3A = vector.shape_cast %slice3A : vector<1x1024x128xf32> to vector<1024x128xf32>
    %max3A = arith.constant 1.000000e+00 : f32
    %max3A_3 = vector.broadcast %max3A : f32 to vector<1024x128xf32>
    %max3A_4 = arith.maximumf %squeeze3A, %max3A_3 : vector<1024x128xf32>
    %rsqrt3A = math.rsqrt %max3A_4 : vector<1024x128xf32>
    %slice3A_5 = vector.extract_strided_slice %rsqrt3A {offsets = [0, 0], sizes = [1024, 1], strides = [1, 1]} : vector<1024x128xf32> to vector<1024x1xf32>
    %slice3A_6 = vector.extract_strided_slice %get3A_2 {offsets = [1, 0, 0], sizes = [1, 1024, 128], strides = [1, 1, 1]} : vector<2x1024x128xf32> to vector<1x1024x128xf32>
    %squeeze3A_7 = vector.shape_cast %slice3A_6 : vector<1x1024x128xf32> to vector<1024x128xf32>
    %max3A_8 = arith.constant 1.000000e+00 : f32
    %max3A_9 = vector.broadcast %max3A_8 : f32 to vector<1024x128xf32>
    %max3A_10 = arith.maximumf %squeeze3A_7, %max3A_9 : vector<1024x128xf32>
    %rsqrt3A_11 = math.rsqrt %max3A_10 : vector<1024x128xf32>
    %slice3A_12 = vector.extract_strided_slice %rsqrt3A_11 {offsets = [0, 0], sizes = [1024, 1], strides = [1, 1]} : vector<1024x128xf32> to vector<1024x1xf32>
    %get3A_13 = arith.constant 0 : index
    %get3A_14 = arith.constant 0 : index
    %get3A_15 = arith.constant 0 : index
    %get3A_16 = vector.load %arg1[%get3A_13, %get3A_14, %get3A_15] : memref<2x1024x128xf32, #tpu.memory_space<vmem>>, vector<1x1024x128xf32>
    %get3A_17 = vector.shape_cast %get3A_16 : vector<1x1024x128xf32> to vector<1024x128xf32>
    %get3A_18 = arith.constant 1 : index
    %get3A_19 = arith.constant 0 : index
    %get3A_20 = arith.constant 0 : index
    %get3A_21 = vector.load %arg1[%get3A_18, %get3A_19, %get3A_20] : memref<2x1024x128xf32, #tpu.memory_space<vmem>>, vector<1x1024x128xf32>
    %get3A_22 = vector.shape_cast %get3A_21 : vector<1x1024x128xf32> to vector<1024x128xf32>
    %add3A = arith.addf %get3A_17, %get3A_22 : vector<1024x128xf32>
    %mul3A = vector.broadcast %slice3A_12 : vector<1024x1xf32> to vector<1024x128xf32>
    %mul3A_23 = arith.mulf %add3A, %mul3A : vector<1024x128xf32>
    %get3A_24 = arith.constant 0 : index
    %get3A_25 = arith.constant 0 : index
    %get3A_26 = vector.load %arg3[%get3A_24, %get3A_25] : memref<1x128xf32, #tpu.memory_space<vmem>>, vector<1x128xf32>
    %add3A_27 = vector.broadcast %get3A_26 : vector<1x128xf32> to vector<1024x128xf32>
    %add3A_28 = arith.addf %mul3A_23, %add3A_27 : vector<1024x128xf32>
    %max3A_29 = arith.constant 0.000000e+00 : f32
    %max3A_30 = vector.broadcast %max3A_29 : f32 to vector<1024x128xf32>
    %max3A_31 = arith.maximumf %add3A_28, %max3A_30 : vector<1024x128xf32>
    %mul3A_32 = vector.broadcast %slice3A_5 : vector<1024x1xf32> to vector<1024x128xf32>
    %mul3A_33 = arith.mulf %max3A_31, %mul3A_32 : vector<1024x128xf32>
    %get3A_34 = arith.constant 0 : index
    %get3A_35 = arith.constant 0 : index
    %get3A_36 = vector.load %arg4[%get3A_34, %get3A_35] : memref<128x128xf32, #tpu.memory_space<vmem>>, vector<128x128xf32>
    %dot_general3A = arith.constant dense<0.000000e+00> : vector<1024x128xf32>
    %dot_general3A_37 = tpu.matmul %mul3A_33, %get3A_36, %dot_general3A {dimension_numbers = #tpu.dot_dimension_numbers<[1], [0], [0], [1], [0, 0, 1, 1], [], []>, transpose_lhs_hint = false} : vector<1024x128xf32>, vector<128x128xf32>, vector<1024x128xf32> -> vector<1024x128xf32>
    %swap3A = arith.constant 0 : index
    %swap3A_38 = arith.constant 0 : index
    %swap3A_39 = vector.load %arg5[%swap3A, %swap3A_38] : memref<1024x128xf32, #tpu.memory_space<vmem>>, vector<1024x128xf32>
    tpu.vector_store %arg5[%swap3A, %swap3A_38], %dot_general3A_37 {strides = array<i32>} : memref<1024x128xf32, #tpu.memory_space<vmem>>, vector<1024x128xf32>,
    return
  }
  func.func @transform_0(%arg0: i32) -> (i32, i32, i32) {
    %c0_i32 = arith.constant 0 : i32
    %c0_i32_0 = arith.constant 0 : i32
    %c0_i32_1 = arith.constant 0 : i32
    return %c0_i32, %arg0, %c0_i32_0 : i32, i32, i32
  }
  func.func @transform_1(%arg0: i32) -> (i32, i32, i32) {
    %c0_i32 = arith.constant 0 : i32
    %c0_i32_0 = arith.constant 0 : i32
    %c0_i32_1 = arith.constant 0 : i32
    return %c0_i32, %arg0, %c0_i32_0 : i32, i32, i32
  }
  func.func @transform_2(%arg0: i32) -> (i32, i32) {
    %c0_i32 = arith.constant 0 : i32
    %c0_i32_0 = arith.constant 0 : i32
    %c0_i32_1 = arith.constant 0 : i32
    return %c0_i32, %c0_i32_0 : i32, i32
  }
  func.func @transform_3(%arg0: i32) -> (i32, i32) {
    %c0_i32 = arith.constant 0 : i32
    %c0_i32_0 = arith.constant 0 : i32
    %c0_i32_1 = arith.constant 0 : i32
    return %c0_i32, %c0_i32_0 : i32, i32
  }
  func.func @transform_4(%arg0: i32) -> (i32, i32) {
    %c0_i32 = arith.constant 0 : i32
    %c0_i32_0 = arith.constant 0 : i32
    return %arg0, %c0_i32 : i32, i32
  }
}

module attributes {stable_mosaic.version = 14 : i64} {
  func.func @_tc_c_body(%arg0: i32, %arg1: memref<2x1024x128xf32, #tpu.memory_space<vmem>>, %arg2: memref<2x1024x128xf32, #tpu.memory_space<vmem>>, %arg3: memref<1x128xf32, #tpu.memory_space<vmem>>, %arg4: memref<1024x128xf32, #tpu.memory_space<vmem>>) attributes {dimension_semantics = [#tpu.dimension_semantics<arbitrary>], iteration_bounds = array<i64: 10>, scalar_prefetch = 0 : i64, scratch_operands = 0 : i64, tpu.core_type = #tpu.core_type<tc>, window_params = [{transform_indices = @transform_0, window_bounds = array<i64: 2, 1024, 128>}, {transform_indices = @transform_1, window_bounds = array<i64: 2, 1024, 128>}, {pipeline_mode = #tpu.pipeline_mode<synchronous>, transform_indices = @transform_2, window_bounds = array<i64: 1, 128>}, {transform_indices = @transform_3, window_bounds = array<i64: 1024, 128>}]} {
    %get3A = arith.constant 0 : index
    %get3A_0 = arith.constant 0 : index
    %get3A_1 = arith.constant 0 : index
    %get3A_2 = vector.load %arg2[%get3A, %get3A_0, %get3A_1] : memref<2x1024x128xf32, #tpu.memory_space<vmem>>, vector<2x1024x128xf32>
    %slice3A = vector.extract_strided_slice %get3A_2 {offsets = [1, 0, 0], sizes = [1, 1024, 128], strides = [1, 1, 1]} : vector<2x1024x128xf32> to vector<1x1024x128xf32>
    %squeeze3A = vector.shape_cast %slice3A : vector<1x1024x128xf32> to vector<1024x128xf32>
    %max3A = arith.constant 1.000000e+00 : f32
    %max3A_3 = vector.broadcast %max3A : f32 to vector<1024x128xf32>
    %max3A_4 = arith.maximumf %squeeze3A, %max3A_3 : vector<1024x128xf32>
    %rsqrt3A = math.rsqrt %max3A_4 : vector<1024x128xf32>
    %slice3A_5 = vector.extract_strided_slice %rsqrt3A {offsets = [0, 0], sizes = [1024, 1], strides = [1, 1]} : vector<1024x128xf32> to vector<1024x1xf32>
    %get3A_6 = arith.constant 0 : index
    %get3A_7 = arith.constant 0 : index
    %get3A_8 = arith.constant 0 : index
    %get3A_9 = vector.load %arg1[%get3A_6, %get3A_7, %get3A_8] : memref<2x1024x128xf32, #tpu.memory_space<vmem>>, vector<1x1024x128xf32>
    %get3A_10 = vector.shape_cast %get3A_9 : vector<1x1024x128xf32> to vector<1024x128xf32>
    %get3A_11 = arith.constant 1 : index
    %get3A_12 = arith.constant 0 : index
    %get3A_13 = arith.constant 0 : index
    %get3A_14 = vector.load %arg1[%get3A_11, %get3A_12, %get3A_13] : memref<2x1024x128xf32, #tpu.memory_space<vmem>>, vector<1x1024x128xf32>
    %get3A_15 = vector.shape_cast %get3A_14 : vector<1x1024x128xf32> to vector<1024x128xf32>
    %add3A = arith.addf %get3A_10, %get3A_15 : vector<1024x128xf32>
    %mul3A = vector.broadcast %slice3A_5 : vector<1024x1xf32> to vector<1024x128xf32>
    %mul3A_16 = arith.mulf %add3A, %mul3A : vector<1024x128xf32>
    %get3A_17 = arith.constant 0 : index
    %get3A_18 = arith.constant 0 : index
    %get3A_19 = vector.load %arg3[%get3A_17, %get3A_18] : memref<1x128xf32, #tpu.memory_space<vmem>>, vector<1x128xf32>
    %add3A_20 = vector.broadcast %get3A_19 : vector<1x128xf32> to vector<1024x128xf32>
    %add3A_21 = arith.addf %mul3A_16, %add3A_20 : vector<1024x128xf32>
    %swap3A = arith.constant 0 : index
    %swap3A_22 = arith.constant 0 : index
    %swap3A_23 = vector.load %arg4[%swap3A, %swap3A_22] : memref<1024x128xf32, #tpu.memory_space<vmem>>, vector<1024x128xf32>
    tpu.vector_store %arg4[%swap3A, %swap3A_22], %add3A_21 {strides = array<i32>} : memref<1024x128xf32, #tpu.memory_space<vmem>>, vector<1024x128xf32>,
    return
  }
  func.func @transform_0(%arg0: i32) -> (i32, i32, i32) {
    %c0_i32 = arith.constant 0 : i32
    %c0_i32_0 = arith.constant 0 : i32
    %c0_i32_1 = arith.constant 0 : i32
    return %c0_i32, %arg0, %c0_i32_0 : i32, i32, i32
  }
  func.func @transform_1(%arg0: i32) -> (i32, i32, i32) {
    %c0_i32 = arith.constant 0 : i32
    %c0_i32_0 = arith.constant 0 : i32
    %c0_i32_1 = arith.constant 0 : i32
    return %c0_i32, %arg0, %c0_i32_0 : i32, i32, i32
  }
  func.func @transform_2(%arg0: i32) -> (i32, i32) {
    %c0_i32 = arith.constant 0 : i32
    %c0_i32_0 = arith.constant 0 : i32
    %c0_i32_1 = arith.constant 0 : i32
    return %c0_i32, %c0_i32_0 : i32, i32
  }
  func.func @transform_3(%arg0: i32) -> (i32, i32) {
    %c0_i32 = arith.constant 0 : i32
    %c0_i32_0 = arith.constant 0 : i32
    return %arg0, %c0_i32 : i32, i32
  }
}

</mosaic_0001>

<sc_bundles>
// kernel: kernel.11.cloned.1.call-start
scs
__scs_entry_jumppad:
0x0: {  	(pc) =	sbr.rel $0x88, $3  }
0x1: {  	(tag) =	ssettag $0x0;
	lr =	simm.s32 $0x1  }
0x2: {  	[smem:$0x3F9B] =	sst lr;
	_ =	strace $0xD0000000  }
0x3: {  	_ = 	snop  }
0x4: {  	_ = 	snop  }
0x5: {  	_ = 	snop  }
0x6: {  	_ = 	snop  }
0x7: {  	_ = 	snop  }
__scs_overlays_trampoline_lowered:
0x8: {  	[smem:$0x3FAA] =	sst s0  }
0x9: {  	[smem:$0x3FAB] =	sst s1  }
0xa: {  	[smem:$0x3FAC] =	sst s2  }
0xb: {  	[smem:$0x3FAD] =	sst s3  }
0xc: {  	[smem:$0x3FAE] =	sst s4  }
0xd: {  	[smem:$0x3FAF] =	sst s5  }
0xe: {  	[smem:$0x3FB0] =	sst s6  }
0xf: {  	[smem:$0x3FB1] =	sst s7  }
0x10: {  	[smem:$0x3FB2] =	sst s8  }
0x11: {  	[smem:$0x3FB3] =	sst s9;
	s0 =	simm.s32 @!p0 $0x0  }
0x12: {  	s1 =	sld [smem:$0x3F99];
	s0 =	simm.s32 @p0 $0x1  }
0x13: {  	[smem:$0x3FB4] =	sst s0;
	s0 =	simm.s32 @!p1 $0x0  }
0x14: {  	s2 =	sld [smem:$0x3F98];
	s0 =	simm.s32 @p1 $0x1  }
0x15: {  	[smem:$0x3FB5] =	sst s0;
	s0 =	simm.s32 @!p2 $0x0  }
0x16: {  	s3 =	sld [smem:$0x3FDB];
	s0 =	simm.s32 @p2 $0x1  }
0x17: {  	s4 =	simm.s32 $0x1BF5;
	[smem:$0x3FB7] =	sst s0  }
0x18: {  	s0 =	sld [smem:$0x3F9A];
	_ =	swait.ge [sflag:s4], $0x0  }
0x19: {  	s7 =	sld [smem:$0x3F9B]  }
0x1a: {  	s8 =	sadd.s32 $0xFFFFE003, lr  }
0x1b: {  	s9 =	sadd.s32 $0xFFFFFEF7, lr;
	s5 =	simm.s32 $0xFFFFFFFF;
	p2 =	slt.u32 s8, $0xFFFFF086  }
0x1c: {  	p1 =	slt.u32 s9, $0xF7A;
	s5 =	simm.s32 @!p2 $0x0  }
0x1d: {  	s5 =	simm.s32 @p1 $0x1;
	p0 =	seq.s32 s7, s2  }
0x1e: {  	s7 =	smul.u32 @!p0 $0xF7A, s2;
	p2 =	seq.s32 @!p0 s5, $0x0  }
0x1f: {  	s9 =	smul.u32 $0xF7A, s1;
	s8 =	simm.s32 @!p0 $0x1BF5;
	p2 =	por !p2, p0  }
0x20: {  	[sflag:s8] =	ssyncset.s32 @!p0 $0xFFFFF086;
	s6 =	sadd.s32 @!p0 s3, s7;
	s7 =	simm.s32 @!p0 $0x108  }
0x21: {  	s3 =	sadd.s32 s3, s9;
	s6 =	sadd.s32 @!p0 $0x88, s6;
	s7 =	simm.s32 @p2 $0x1082  }
0x22: {  	[simem:s7], [sflag:s8] =	dma.local @!p0 [hbm:s6], $0xF7A  }
0x23: {  	s9 =	sor.u32 $0xD0000000, s2;
	s6 =	simm.s32 $0x108;
	_ =	swait.ge @!p0 [sflag:s8], $0x0  }
0x24: {  	s3 =	sadd.s32 $0x88, s3;
	s6 =	simm.s32 @!p1 $0x1082;
	[sflag:s4] =	ssyncset.s32 $0xFFFFF086  }
0x25: {  	[simem:s6], [sflag:s4] =	dma.local [hbm:s3], $0xF7A  }
0x26: {  	[smem:$0x3F9B] =	sst s1;
	(tag) =	ssettag s2;
	_ =	strace s9  }
0x27: {  	s1 =	sld [smem:$0x3FAB]  }
0x28: {  	s2 =	sld [smem:$0x3FAC]  }
0x29: {  	s4 =	sld [smem:$0x3FAE]  }
0x2a: {  	p0 =	seq.s32 s5, $0x0;
	s5 =	sld [smem:$0x3FAF]  }
0x2b: {  	s6 =	sld [smem:$0x3FB0]  }
0x2c: {  	s7 =	sld [smem:$0x3FB1]  }
0x2d: {  	s3 =	simm.s32 $0x108;
	s8 =	sld [smem:$0x3FB2]  }
0x2e: {  	s3 =	simm.s32 @!p0 $0x1082;
	s9 =	sld [smem:$0x3FB3]  }
0x2f: {  	lr =	sadd.s32 s0, s3;
	s0 =	sld [smem:$0x3FAA]  }
0x30: {  	s3 =	sld [smem:$0x3FAD]  }
0x31: {  	[smem:$0x3FB6] =	sst s10  }
0x32: {  	s10 =	sld [smem:$0x3FB4];
	_ =	sdelay $0x3  }
0x33: {  	p0 =	seq.s32 s10, $0x1;
	s10 =	sld [smem:$0x3FB6];
	_ =	sdelay $0x3  }
0x34: {  	[smem:$0x3FB6] =	sst s10  }
0x35: {  	s10 =	sld [smem:$0x3FB5];
	_ =	sdelay $0x3  }
0x36: {  	p1 =	seq.s32 s10, $0x1;
	s10 =	sld [smem:$0x3FB6];
	_ =	sdelay $0x3  }
0x37: {  	[smem:$0x3FB6] =	sst s10  }
0x38: {  	s10 =	sld [smem:$0x3FB7]  }
0x39: {  	_ = 	snop;
	(pc) =	sbr.ind lr, $3  }
0x3a: {  	_ = 	snop  }
0x3b: {  	_ = 	snop  }
0x3c: {  	p2 =	seq.s32 s10, $0x1;
	s10 =	sld [smem:$0x3FB6]  }
0x3d: {  	_ =	shalt  }
0x3e: {  	_ =	shalt  }
0x3f: {  	_ =	shalt  }
0x40: {  	_ =	shalt  }
0x41: {  	_ =	shalt  }
0x42: {  	_ =	shalt  }
0x43: {  	_ =	shalt  }
0x44: {  	_ =	shalt  }
0x45: {  	_ =	shalt  }
0x46: {  	_ =	shalt  }
0x47: {  	_ =	shalt  }
0x48: {  	_ =	shalt  }
0x49: {  	_ =	shalt  }
0x4a: {  	_ =	shalt  }
0x4b: {  	_ =	shalt  }
0x4c: {  	_ =	shalt  }
0x4d: {  	_ =	shalt  }
0x4e: {  	_ =	shalt  }
0x4f: {  	_ =	shalt  }
0x50: {  	_ =	shalt  }
0x51: {  	_ =	shalt  }
0x52: {  	_ =	shalt  }
0x53: {  	_ =	shalt  }
0x54: {  	_ =	shalt  }
0x55: {  	_ =	shalt  }
0x56: {  	_ =	shalt  }
0x57: {  	_ =	shalt  }
0x58: {  	_ =	shalt  }
0x59: {  	_ =	shalt  }
0x5a: {  	_ =	shalt  }
0x5b: {  	_ =	shalt  }
0x5c: {  	_ =	shalt  }
0x5d: {  	_ =	shalt  }
0x5e: {  	_ =	shalt  }
0x5f: {  	_ =	shalt  }
0x60: {  	_ =	shalt  }
0x61: {  	_ =	shalt  }
0x62: {  	_ =	shalt  }
0x63: {  	_ =	shalt  }
0x64: {  	_ =	shalt  }
0x65: {  	_ =	shalt  }
0x66: {  	_ =	shalt  }
0x67: {  	_ =	shalt  }
0x68: {  	_ =	shalt  }
0x69: {  	_ =	shalt  }
0x6a: {  	_ =	shalt  }
0x6b: {  	_ =	shalt  }
0x6c: {  	_ =	shalt  }
0x6d: {  	_ =	shalt  }
0x6e: {  	_ =	shalt  }
0x6f: {  	_ =	shalt  }
0x70: {  	_ =	shalt  }
0x71: {  	_ =	shalt  }
0x72: {  	_ =	shalt  }
0x73: {  	_ =	shalt  }
0x74: {  	_ =	shalt  }
0x75: {  	_ =	shalt  }
0x76: {  	_ =	shalt  }
0x77: {  	_ =	shalt  }
0x78: {  	_ =	shalt  }
0x79: {  	_ =	shalt  }
0x7a: {  	_ =	shalt  }
0x7b: {  	_ =	shalt  }
0x7c: {  	_ =	shalt  }
0x7d: {  	_ =	shalt  }
0x7e: {  	_ =	shalt  }
0x7f: {  	_ =	shalt  }
0x80: {  	_ =	shalt  }
0x81: {  	_ =	shalt  }
0x82: {  	_ =	shalt  }
0x83: {  	_ =	shalt  }
0x84: {  	_ =	shalt  }
0x85: {  	_ =	shalt  }
0x86: {  	_ =	shalt  }
0x87: {  	_ =	shalt  }
.Lfunc_end0:
.L_simem_size_0:
called_computation.1_lowered:
.L_overlay_start_0:
0x88: {  	s2 =	sld [smem:$0x3FD9]  }
0x89: {  	s3 =	sld [smem:$0x3FFE];
	_ =	sdelay $0x1  }
0x8a: {  	s1 =	srdreg.scid  }
0x8b: {  	s0 =	sand.u32 $0x1, s1  }
0x8c: {  	s17 =	sshll.u32 s0, $0xA;
	s2 =	sadd.s32 s3, s2  }
0x8d: {  	s2 =	sadd.s32 s2, s17  }
0x8e: {  	[smem:$0x3FC2] =	sst s2  }
0x8f: {  	_ = 	snop  }
0x90: {  	s2 =	sld [smem:$0x3FD0];
	(tm) =	ssettm $0x1  }
0x91: {  	s18 =	sld [smem:$0x3FFB];
	_ =	sdelay $0x3  }
0x92: {  	_ =	strace s18  }
0x93: {  	s3 =	sld [smem:$0x3FFC];
	_ =	sdelay $0x3  }
0x94: {  	_ =	strace s3  }
0x95: {  	s3 =	sld [smem:$0x3FFD];
	_ =	sdelay $0x3  }
0x96: {  	_ =	strace s3  }
0x97: {  	_ =	strace $0x8FFFFFFF  }
0x98: {  	s19 =	sld [smem:$0x3FDB];
	_ =	sdelay $0x1  }
0x99: {  	s4 =	simm.s32 $_scs_section_size  }
0x9a: {  	s5 =	simm.s32 $_size__tile_overlayer_lowered;
	s6 =	simm.s32 $_tile_overlayer_lowered  }
0x9b: {  	s22 =	simm.s32 $0x1BFF;
	s21 =	sshll.u32 s6, $0x1;
	s3 =	sadd.s32 s4, s19  }
0x9c: {  	s7 =	simm.s32 $0x0;
	s20 =	sshll.u32 s5, $0x1;
	s5 =	sadd.s32 s21, s3  }
0x9d: {  	[timem:s7], [sflag:s22] =	dma.local [hbm:s5], s20  }
0x9e: {  	_ =	swait.ge [sflag:s22], s20  }
0x9f: {  	s4 =	ssub.s32 $0x0, s20;
	[sflag:s22] =	ssyncset.done $0x0  }
0xa0: {  	[sflag:s22] =	ssyncadd.s32 s4;
	_ =	sdelay $0x1  }
0xa1: {  	s23 =	simm.s32 $0x1B8B  }
0xa2: {  	_ =	swait.ge [sflag:s23], $0x1  }
0xa3: {  	[sflag:s23] =	ssyncset.done $0x0  }
0xa4: {  	s25 =	simm.s32 $0x1B8E;
	s24 =	sld [smem:$0x3FFE];
	[sflag:s23] =	ssyncadd.s32 $0xFFFFFFFF  }
0xa5: {  	s26 =	simm.s32 $execute0_lowered;
	[smem:$0x3FD2] =	sst s25  }
0xa6: {  	s5 =	sshll.u32 s26, $0x1;
	_ =	strace $0x80000049;
	[dreg:$0x1] =	wrdreg $0xFFFFFFFF  }
0xa7: {  	s28 =	simm.s32 $_size_execute0_lowered;
	s3 =	sadd.s32 s3, s5;
	[dreg:$0x0] =	wrdreg $0x0  }
0xa8: {  	s5 =	sshll.u32 s28, $0x1;
	[dreg:$0x2] =	wrdreg s3  }
0xa9: {  	[dreg:$0x3] =	wrdreg s5  }
0xaa: {  	[dreg:$0x4] =	wrdreg $0xC0  }
0xab: {  	_ =	task [dreg:s7], $0x5FFFF  }
0xac: {  	[dreg:$0x1] =	wrdreg $0xFFFFFFFF  }
0xad: {  	[dreg:$0x0] =	wrdreg $0x60  }
0xae: {  	[dreg:$0x2] =	wrdreg s24  }
0xaf: {  	[dreg:$0x3] =	wrdreg s2  }
0xb0: {  	[dreg:$0x4] =	wrdreg $0x90000  }
0xb1: {  	[dreg:$0x5] =	wrdreg $0x9  }
0xb2: {  	_ =	task.clear_ibuf [dreg:s7], $0x6FFFF;
	_ =	strace $0x90000049  }
0xb3: {  	s29 =	simm.s32 $0x9;
	_ =	strace $0x8000004B  }
0xb4: {  	_ =	swait.ge [sflag:s29], $0x1  }
0xb5: {  	[sflag:s29] =	ssyncadd.s32 $0xFFFFFFFF  }
0xb6: {  	_ =	strace $0x9000004B  }
0xb7: {  	_ =	sfence  }
0xb8: {  	s30 =	sld [smem:$0x0];
	_ =	sdelay $0x2  }
0xb9: {  	s31 =	sshll.u32 s1, $0xD;
	s1 =	sshrl.u32 s1, $0x2  }
0xba: {  	s3 =	sand.u32 $0x4000, s31;
	s1 =	sadd.s32 s1, s30  }
0xbb: {  	s0 =	sor.u32 s3, s0;
	s1 =	sshll.u32 s1, $0x11  }
0xbc: {  	s0 =	sor.u32 s1, s0  }
0xbd: {  	s0 =	sadd.s32 $0x8F2B, s0  }
0xbe: {  	[sflag:s0] =	ssyncadd.remote.s32 $0x1  }
0xbf: {  	_ =	sfence.sel $0xFFFF  }
0xc0: {  	[dreg:$0x0] =	wrdreg $0xFFFFFFFF;
	(pc) =	sbr.abs _section_cstart, $3  }
0xc1: {  	[dreg:$0x1] =	wrdreg $0xFFFFFFFF  }
0xc2: {  	_ =	task.clear_ibuf [dreg:s7], $0x2FFFF;
	_ =	strace $0x9FFFFFFF  }
0xc3: {  	(tm) =	ssettm $0x7FFFFFFF  }
tec
execute0_lowered:
.L_overlay_start_1:
0x0: {  	(tag) =	ssettag $0x1  }
0x1: {  	s5 =	rddreg [dreg:$0x0]  }
0x2: {  	s0 =	srdreg.scid;
	s7 =	rddreg [dreg:$0x1]  }
0x3: {  	s2 =	rddreg [dreg:$0x2];
	s3 =	simm.s32 $0x0;
	s15 =	simm.s32 $0x5000  }
0x4: {  	s16 =	simm.s32 $0x1;
	s6 =	sand.u32 $0x1, s0;
	s0 =	stileid.u32  }
0x5: {  	s17 =	simm.s32 $0x0;
	[smem:$0x7FF] =	sst s3;
	s9 =	smul.u32 $0x13C00, s0  }
0x6: {  	s1 =	sshll.u32 s6, $0x4;
	s10 =	smul.u32 $0x140000, s6;
	s6 =	ssub.s32 $0x2, s6  }
0x7: {  	s29 =	smul.u32 $0x4F000, s0;
	s31 =	sshll.u32 s0, $0x6;
	s4 =	sor.u32 s0, s1  }
0x8: {  	s1 =	rddreg [dreg:$0x3];
	_ =	strace $0x8000004A;
	s13 =	sshrl.u32 s6, $0x1  }
0x9: {  	s8 =	smul.u32 $0x500, s4;
	s4 =	sadd.s32 $0x98C00, s5;
	s12 =	sshrl.u32 s9, $0x3  }
0xa: {  	s9 =	sadd.s32 s9, s10;
	s13 =	ssub.s32 s6, s13;
	s30 =	sshrl.u32 s29, $0x2  }
0xb: {  	s6 =	sor.u32 $0x1C02, s31;
	s12 =	sadd.s32 s12, s5;
	s9 =	sshrl.u32 s9, $0x3  }
0xc: {  	s14 =	sadd.s32 s30, s2;
	s10 =	smax.u32 s13, $0x1;
	s13 =	simm.s32 $0x2800  }
0xd: {  	s11 =	sadd.s32 s8, s5;
	s9 =	sadd.s32 s9, s5;
	s5 =	sadd.s32 $0x16400, s12  }
0xe: {  	s7 =	sadd.s32 s7, s8;
	s12 =	simm.s32 $0x2;
	s8 =	sadd.s32 $0x8EC00, s11  }
0xf: {  	s9 =	sadd.s32 $0xC0C00, s9;
	s11 =	sshrl.u32 s14, $0x3;
	s14 =	simm.s32 $0x80  }
.LBB2_1:
0x10: {  	[spmem:s11], [sflag:s6] =	dma.local [hbm:s5], $0x2780  }
0x11: {  	_ =	swait.ge [sflag:s12], $0x2780  }
0x12: {  	[sflag:s12] =	ssyncset.done $0x0  }
0x13: {  	[sflag:s12] =	ssyncadd.s32 $0xFFFFD880  }
0x14: {  	[bflag:$0x0] =	sbarrier.arrive $0xFFFF  }
0x15: {  	[tilespmem:s3], [sflag:$0x2] =	stream.linear.gather [hbm4b:s7+s3], $0x2800, $0x38;
	[tilespmem:$0x1CC00] =	vst v63  }
0x16: {  	_ =	swait.ge [sflag:s12], $0x2800  }
0x17: {  	[sflag:s12] =	ssyncset.done $0x0  }
0x18: {  	[sflag:s12] =	ssyncadd.s32 $0xFFFFD800  }
0x19: {  	[tilespmem:s13], [sflag:$0x2] =	stream.linear.gather [hbm4b:s8+s3], $0x2800, $0x38;
	[tilespmem:$0x1CC00] =	vst v63  }
0x1a: {  	_ =	swait.ge [sflag:s12], $0x2800  }
0x1b: {  	[sflag:s12] =	ssyncset.done $0x0  }
0x1c: {  	s18 =	simm.s32 $0x0;
	[sflag:s12] =	ssyncadd.s32 $0xFFFFD800  }
0x1d: {  	[tilespmem:s15], [sflag:$0x1] =	stream.indirect.gather [hbm4b:s4+s14], $0x80, s18, s14, $0xb8;
	[tilespmem:$0x1CC00] =	vst v63  }
0x1e: {  	_ =	swait.ge [sflag:s16], $0x4000  }
0x1f: {  	[sflag:s16] =	ssyncset.done $0x0  }
0x20: {  	s31 =	simm.s32 $0x2800;
	[sflag:s16] =	ssyncadd.s32 $0xFFFFC000  }
0x21: {  	[spmem:s2] =	stream.indirect.scatter.add.f32 [tilespmem:s15], [sflag:$0x2], $0x80, s31, s14, $0xb8;
	[tilespmem:$0x1CC00] =	vst v63  }
0x22: {  	_ =	swait.ge [sflag:s12], $0x4000  }
0x23: {  	s19 =	simm.s32 $0x400;
	s18 =	simm.s32 $0x200;
	[sflag:s12] =	ssyncset.done $0x0  }
.LBB2_2:
0x24: {  	s20 =	sshra.s32 s18, $0x2  }
0x25: {  	[sflag:s12] =	ssyncadd.s32 $0xFFFFC000;
	s18 =	smov.u32 s19;
	s21 =	sadd.s32 $0x200, s19  }
0x26: {  	[tilespmem:s15], [sflag:$0x1] =	stream.indirect.gather [hbm4b:s4+s14], $0x80, s20, s14, $0xb8;
	[tilespmem:$0x1CC00] =	vst v63  }
0x27: {  	p0 =	sne.s32 s19, $0x9E00;
	_ =	swait.ge [sflag:s16], $0x4000  }
.Ltmp0:
0x28: {  	[sflag:s16] =	ssyncset.done $0x0;
	(pc) =	sbr.rel @p0 .LBB2_2-.Ltmp0, $4  }
0x29: {  	s19 =	sadd.s32 $0x2800, s20;
	[sflag:s16] =	ssyncadd.s32 $0xFFFFC000  }
0x2a: {  	[spmem:s2] =	stream.indirect.scatter.add.f32 [tilespmem:s15], [sflag:$0x2], $0x80, s19, s14, $0xb8;
	[tilespmem:$0x1CC00] =	vst v63  }
0x2b: {  	_ =	swait.ge [sflag:s12], $0x4000  }
0x2c: {  	s19 =	smov.u32 s21;
	[sflag:s12] =	ssyncset.done $0x0  }
0x2d: {  	s18 =	sshra.s32 s18, $0x2;
	[sflag:s12] =	ssyncadd.s32 $0xFFFFC000  }
0x2e: {  	[tilespmem:s15], [sflag:$0x1] =	stream.indirect.gather [hbm4b:s4+s14], $0x80, s18, s14, $0xb8;
	[tilespmem:$0x1CC00] =	vst v63  }
0x2f: {  	_ =	swait.ge [sflag:s16], $0x4000  }
0x30: {  	[sflag:s16] =	ssyncset.done $0x0  }
0x31: {  	s18 =	sadd.s32 $0x2800, s18;
	[sflag:s16] =	ssyncadd.s32 $0xFFFFC000  }
0x32: {  	[spmem:s2] =	stream.indirect.scatter.add.f32 [tilespmem:s15], [sflag:$0x2], $0x80, s18, s14, $0xb8;
	[tilespmem:$0x1CC00] =	vst v63  }
0x33: {  	_ =	swait.ge [sflag:s12], $0x4000  }
0x34: {  	s17 =	sadd.s32 $0x1, s17;
	[sflag:s12] =	ssyncset.done $0x0  }
0x35: {  	p0 =	sne.s32 s17, s10;
	[sflag:s12] =	ssyncadd.s32 $0xFFFFC000  }
.Ltmp1:
0x36: {  	[bflag:$0x0] =	sbarrier.arrive $0xFFFF;
	(pc) =	sbr.rel @p0 .LBB2_1-.Ltmp1, $4  }
0x37: {  	[hbm:s9], [sflag:s6] =	dma.local [spmem:s11], $0x2780  }
0x38: {  	_ =	swait.ge [sflag:s12], $0x2780  }
0x39: {  	[sflag:s12] =	ssyncset.done $0x0  }
0x3a: {  	[sflag:s12] =	ssyncadd.s32 $0xFFFFD880  }
0x3b: {  	_ =	sfence.sel $0x180000  }
0x3c: {  	[bflag:$0x0] =	sbarrier.arrive $0xFFFF  }
0x3d: {  	p0 =	sne.s32 s0, $0x0;
	_ =	strace $0x9000004A  }
0x3e: {  	s0 =	sadd.s32 @!p0 $0x100000, s1;
	[bflag:$0x2] =	sbarrier.arrive $0xFFFF  }
0x3f: {  	[sflag:s0] =	ssyncadd.tile.s32 @!p0 $0x1;
	_ =	shalt  }
.Lfunc_end2:
_tile_overlayer_lowered:
.L_overlay_start_2:
0x40: {  	(tag) =	ssettag $0x2  }
0x41: {  	s0 =	rddreg [dreg:$0x0];
	s2 =	stileid.u32  }
0x42: {  	s1 =	rddreg [dreg:$0x1];
	p0 =	sne.s32 s2, $0x0  }
0x43: {  	s3 =	rddreg [dreg:$0x2];
	[bflag:$0x3] =	sbarrier.arrive $0xFFFF;
	s2 =	simm.s32 @!p0 $0x1C02  }
0x44: {  	[timem:s3], [sflag:s2] =	dma.local @!p0 [hbm:s0], s1  }
0x45: {  	s0 =	simm.s32 @!p0 $0x2  }
0x46: {  	_ =	swait.ge @!p0 [sflag:s0], s1  }
0x47: {  	s1 =	ssub.s32 @!p0 $0x0, s1;
	[sflag:s0] =	ssyncset.done @!p0 $0x0  }
0x48: {  	[sflag:s0] =	ssyncadd.s32 @!p0 s1  }
0x49: {  	[bflag:$0x3] =	sbarrier.arrive $0xFFFF  }
0x4a: {  	_ =	shalt  }

// kernel: kernel.14.cloned.1.call-start
scs
__scs_entry_jumppad:
0x0: {  	(pc) =	sbr.rel $0x88, $3  }
0x1: {  	(tag) =	ssettag $0x0;
	lr =	simm.s32 $0x1  }
0x2: {  	[smem:$0x3F9B] =	sst lr;
	_ =	strace $0xD0000000  }
0x3: {  	_ = 	snop  }
0x4: {  	_ = 	snop  }
0x5: {  	_ = 	snop  }
0x6: {  	_ = 	snop  }
0x7: {  	_ = 	snop  }
__scs_overlays_trampoline_lowered:
0x8: {  	[smem:$0x3FAA] =	sst s0  }
0x9: {  	[smem:$0x3FAB] =	sst s1  }
0xa: {  	[smem:$0x3FAC] =	sst s2  }
0xb: {  	[smem:$0x3FAD] =	sst s3  }
0xc: {  	[smem:$0x3FAE] =	sst s4  }
0xd: {  	[smem:$0x3FAF] =	sst s5  }
0xe: {  	[smem:$0x3FB0] =	sst s6  }
0xf: {  	[smem:$0x3FB1] =	sst s7  }
0x10: {  	[smem:$0x3FB2] =	sst s8  }
0x11: {  	[smem:$0x3FB3] =	sst s9;
	s0 =	simm.s32 @!p0 $0x0  }
0x12: {  	s1 =	sld [smem:$0x3F99];
	s0 =	simm.s32 @p0 $0x1  }
0x13: {  	[smem:$0x3FB4] =	sst s0;
	s0 =	simm.s32 @!p1 $0x0  }
0x14: {  	s2 =	sld [smem:$0x3F98];
	s0 =	simm.s32 @p1 $0x1  }
0x15: {  	[smem:$0x3FB5] =	sst s0;
	s0 =	simm.s32 @!p2 $0x0  }
0x16: {  	s3 =	sld [smem:$0x3FDB];
	s0 =	simm.s32 @p2 $0x1  }
0x17: {  	s4 =	simm.s32 $0x1BF5;
	[smem:$0x3FB7] =	sst s0  }
0x18: {  	s0 =	sld [smem:$0x3F9A];
	_ =	swait.ge [sflag:s4], $0x0  }
0x19: {  	s7 =	sld [smem:$0x3F9B]  }
0x1a: {  	s8 =	sadd.s32 $0xFFFFE003, lr  }
0x1b: {  	s9 =	sadd.s32 $0xFFFFFEF7, lr;
	s5 =	simm.s32 $0xFFFFFFFF;
	p2 =	slt.u32 s8, $0xFFFFF086  }
0x1c: {  	p1 =	slt.u32 s9, $0xF7A;
	s5 =	simm.s32 @!p2 $0x0  }
0x1d: {  	s5 =	simm.s32 @p1 $0x1;
	p0 =	seq.s32 s7, s2  }
0x1e: {  	s7 =	smul.u32 @!p0 $0xF7A, s2;
	p2 =	seq.s32 @!p0 s5, $0x0  }
0x1f: {  	s9 =	smul.u32 $0xF7A, s1;
	s8 =	simm.s32 @!p0 $0x1BF5;
	p2 =	por !p2, p0  }
0x20: {  	[sflag:s8] =	ssyncset.s32 @!p0 $0xFFFFF086;
	s6 =	sadd.s32 @!p0 s3, s7;
	s7 =	simm.s32 @!p0 $0x108  }
0x21: {  	s3 =	sadd.s32 s3, s9;
	s6 =	sadd.s32 @!p0 $0x88, s6;
	s7 =	simm.s32 @p2 $0x1082  }
0x22: {  	[simem:s7], [sflag:s8] =	dma.local @!p0 [hbm:s6], $0xF7A  }
0x23: {  	s9 =	sor.u32 $0xD0000000, s2;
	s6 =	simm.s32 $0x108;
	_ =	swait.ge @!p0 [sflag:s8], $0x0  }
0x24: {  	s3 =	sadd.s32 $0x88, s3;
	s6 =	simm.s32 @!p1 $0x1082;
	[sflag:s4] =	ssyncset.s32 $0xFFFFF086  }
0x25: {  	[simem:s6], [sflag:s4] =	dma.local [hbm:s3], $0xF7A  }
0x26: {  	[smem:$0x3F9B] =	sst s1;
	(tag) =	ssettag s2;
	_ =	strace s9  }
0x27: {  	s1 =	sld [smem:$0x3FAB]  }
0x28: {  	s2 =	sld [smem:$0x3FAC]  }
0x29: {  	s4 =	sld [smem:$0x3FAE]  }
0x2a: {  	p0 =	seq.s32 s5, $0x0;
	s5 =	sld [smem:$0x3FAF]  }
0x2b: {  	s6 =	sld [smem:$0x3FB0]  }
0x2c: {  	s7 =	sld [smem:$0x3FB1]  }
0x2d: {  	s3 =	simm.s32 $0x108;
	s8 =	sld [smem:$0x3FB2]  }
0x2e: {  	s3 =	simm.s32 @!p0 $0x1082;
	s9 =	sld [smem:$0x3FB3]  }
0x2f: {  	lr =	sadd.s32 s0, s3;
	s0 =	sld [smem:$0x3FAA]  }
0x30: {  	s3 =	sld [smem:$0x3FAD]  }
0x31: {  	[smem:$0x3FB6] =	sst s10  }
0x32: {  	s10 =	sld [smem:$0x3FB4];
	_ =	sdelay $0x3  }
0x33: {  	p0 =	seq.s32 s10, $0x1;
	s10 =	sld [smem:$0x3FB6];
	_ =	sdelay $0x3  }
0x34: {  	[smem:$0x3FB6] =	sst s10  }
0x35: {  	s10 =	sld [smem:$0x3FB5];
	_ =	sdelay $0x3  }
0x36: {  	p1 =	seq.s32 s10, $0x1;
	s10 =	sld [smem:$0x3FB6];
	_ =	sdelay $0x3  }
0x37: {  	[smem:$0x3FB6] =	sst s10  }
0x38: {  	s10 =	sld [smem:$0x3FB7]  }
0x39: {  	_ = 	snop;
	(pc) =	sbr.ind lr, $3  }
0x3a: {  	_ = 	snop  }
0x3b: {  	_ = 	snop  }
0x3c: {  	p2 =	seq.s32 s10, $0x1;
	s10 =	sld [smem:$0x3FB6]  }
0x3d: {  	_ =	shalt  }
0x3e: {  	_ =	shalt  }
0x3f: {  	_ =	shalt  }
0x40: {  	_ =	shalt  }
0x41: {  	_ =	shalt  }
0x42: {  	_ =	shalt  }
0x43: {  	_ =	shalt  }
0x44: {  	_ =	shalt  }
0x45: {  	_ =	shalt  }
0x46: {  	_ =	shalt  }
0x47: {  	_ =	shalt  }
0x48: {  	_ =	shalt  }
0x49: {  	_ =	shalt  }
0x4a: {  	_ =	shalt  }
0x4b: {  	_ =	shalt  }
0x4c: {  	_ =	shalt  }
0x4d: {  	_ =	shalt  }
0x4e: {  	_ =	shalt  }
0x4f: {  	_ =	shalt  }
0x50: {  	_ =	shalt  }
0x51: {  	_ =	shalt  }
0x52: {  	_ =	shalt  }
0x53: {  	_ =	shalt  }
0x54: {  	_ =	shalt  }
0x55: {  	_ =	shalt  }
0x56: {  	_ =	shalt  }
0x57: {  	_ =	shalt  }
0x58: {  	_ =	shalt  }
0x59: {  	_ =	shalt  }
0x5a: {  	_ =	shalt  }
0x5b: {  	_ =	shalt  }
0x5c: {  	_ =	shalt  }
0x5d: {  	_ =	shalt  }
0x5e: {  	_ =	shalt  }
0x5f: {  	_ =	shalt  }
0x60: {  	_ =	shalt  }
0x61: {  	_ =	shalt  }
0x62: {  	_ =	shalt  }
0x63: {  	_ =	shalt  }
0x64: {  	_ =	shalt  }
0x65: {  	_ =	shalt  }
0x66: {  	_ =	shalt  }
0x67: {  	_ =	shalt  }
0x68: {  	_ =	shalt  }
0x69: {  	_ =	shalt  }
0x6a: {  	_ =	shalt  }
0x6b: {  	_ =	shalt  }
0x6c: {  	_ =	shalt  }
0x6d: {  	_ =	shalt  }
0x6e: {  	_ =	shalt  }
0x6f: {  	_ =	shalt  }
0x70: {  	_ =	shalt  }
0x71: {  	_ =	shalt  }
0x72: {  	_ =	shalt  }
0x73: {  	_ =	shalt  }
0x74: {  	_ =	shalt  }
0x75: {  	_ =	shalt  }
0x76: {  	_ =	shalt  }
0x77: {  	_ =	shalt  }
0x78: {  	_ =	shalt  }
0x79: {  	_ =	shalt  }
0x7a: {  	_ =	shalt  }
0x7b: {  	_ =	shalt  }
0x7c: {  	_ =	shalt  }
0x7d: {  	_ =	shalt  }
0x7e: {  	_ =	shalt  }
0x7f: {  	_ =	shalt  }
0x80: {  	_ =	shalt  }
0x81: {  	_ =	shalt  }
0x82: {  	_ =	shalt  }
0x83: {  	_ =	shalt  }
0x84: {  	_ =	shalt  }
0x85: {  	_ =	shalt  }
0x86: {  	_ =	shalt  }
0x87: {  	_ =	shalt  }
.Lfunc_end0:
.L_simem_size_0:
called_computation.2_lowered:
.L_overlay_start_0:
0x88: {  	s2 =	sld [smem:$0x3FD9]  }
0x89: {  	s3 =	sld [smem:$0x3FFE];
	_ =	sdelay $0x1  }
0x8a: {  	s1 =	srdreg.scid  }
0x8b: {  	s0 =	sand.u32 $0x1, s1  }
0x8c: {  	s17 =	sshll.u32 s0, $0xA;
	s2 =	sadd.s32 s3, s2  }
0x8d: {  	s2 =	sadd.s32 s2, s17  }
0x8e: {  	[smem:$0x3FC2] =	sst s2  }
0x8f: {  	_ = 	snop  }
0x90: {  	s2 =	sld [smem:$0x3FD0];
	(tm) =	ssettm $0x1  }
0x91: {  	s18 =	sld [smem:$0x3FFB];
	_ =	sdelay $0x3  }
0x92: {  	_ =	strace s18  }
0x93: {  	s3 =	sld [smem:$0x3FFC];
	_ =	sdelay $0x3  }
0x94: {  	_ =	strace s3  }
0x95: {  	s3 =	sld [smem:$0x3FFD];
	_ =	sdelay $0x3  }
0x96: {  	_ =	strace s3  }
0x97: {  	_ =	strace $0x8FFFFFFF  }
0x98: {  	s19 =	sld [smem:$0x3FDB];
	_ =	sdelay $0x1  }
0x99: {  	s4 =	simm.s32 $_scs_section_size  }
0x9a: {  	s5 =	simm.s32 $_size__tile_overlayer_lowered;
	s6 =	simm.s32 $_tile_overlayer_lowered  }
0x9b: {  	s22 =	simm.s32 $0x1BFF;
	s21 =	sshll.u32 s6, $0x1;
	s3 =	sadd.s32 s4, s19  }
0x9c: {  	s7 =	simm.s32 $0x0;
	s20 =	sshll.u32 s5, $0x1;
	s5 =	sadd.s32 s21, s3  }
0x9d: {  	[timem:s7], [sflag:s22] =	dma.local [hbm:s5], s20  }
0x9e: {  	_ =	swait.ge [sflag:s22], s20  }
0x9f: {  	s4 =	ssub.s32 $0x0, s20;
	[sflag:s22] =	ssyncset.done $0x0  }
0xa0: {  	[sflag:s22] =	ssyncadd.s32 s4;
	_ =	sdelay $0x1  }
0xa1: {  	s23 =	simm.s32 $0x1B8B  }
0xa2: {  	_ =	swait.ge [sflag:s23], $0x1  }
0xa3: {  	[sflag:s23] =	ssyncset.done $0x0  }
0xa4: {  	s25 =	simm.s32 $0x1B8E;
	s24 =	sld [smem:$0x3FFE];
	[sflag:s23] =	ssyncadd.s32 $0xFFFFFFFF  }
0xa5: {  	s26 =	simm.s32 $execute0_lowered;
	[smem:$0x3FD2] =	sst s25  }
0xa6: {  	s5 =	sshll.u32 s26, $0x1;
	_ =	strace $0x8000004C;
	[dreg:$0x1] =	wrdreg $0xFFFFFFFF  }
0xa7: {  	s28 =	simm.s32 $_size_execute0_lowered;
	s3 =	sadd.s32 s3, s5;
	[dreg:$0x0] =	wrdreg $0x0  }
0xa8: {  	s5 =	sshll.u32 s28, $0x1;
	[dreg:$0x2] =	wrdreg s3  }
0xa9: {  	[dreg:$0x3] =	wrdreg s5  }
0xaa: {  	[dreg:$0x4] =	wrdreg $0xC0  }
0xab: {  	_ =	task [dreg:s7], $0x5FFFF  }
0xac: {  	[dreg:$0x1] =	wrdreg $0xFFFFFFFF  }
0xad: {  	[dreg:$0x0] =	wrdreg $0x60  }
0xae: {  	[dreg:$0x2] =	wrdreg s24  }
0xaf: {  	[dreg:$0x3] =	wrdreg s2  }
0xb0: {  	[dreg:$0x4] =	wrdreg $0x90000  }
0xb1: {  	[dreg:$0x5] =	wrdreg $0x9  }
0xb2: {  	_ =	task.clear_ibuf [dreg:s7], $0x6FFFF;
	_ =	strace $0x9000004C  }
0xb3: {  	s29 =	simm.s32 $0x9;
	_ =	strace $0x8000004E  }
0xb4: {  	_ =	swait.ge [sflag:s29], $0x1  }
0xb5: {  	[sflag:s29] =	ssyncadd.s32 $0xFFFFFFFF  }
0xb6: {  	_ =	strace $0x9000004E  }
0xb7: {  	_ =	sfence  }
0xb8: {  	s30 =	sld [smem:$0x0];
	_ =	sdelay $0x2  }
0xb9: {  	s31 =	sshll.u32 s1, $0xD;
	s1 =	sshrl.u32 s1, $0x2  }
0xba: {  	s3 =	sand.u32 $0x4000, s31;
	s1 =	sadd.s32 s1, s30  }
0xbb: {  	s0 =	sor.u32 s3, s0;
	s1 =	sshll.u32 s1, $0x11  }
0xbc: {  	s0 =	sor.u32 s1, s0  }
0xbd: {  	s0 =	sadd.s32 $0x8F2B, s0  }
0xbe: {  	[sflag:s0] =	ssyncadd.remote.s32 $0x1  }
0xbf: {  	_ =	sfence.sel $0xFFFF  }
0xc0: {  	[dreg:$0x0] =	wrdreg $0xFFFFFFFF;
	(pc) =	sbr.abs _section_cstart, $3  }
0xc1: {  	[dreg:$0x1] =	wrdreg $0xFFFFFFFF  }
0xc2: {  	_ =	task.clear_ibuf [dreg:s7], $0x2FFFF;
	_ =	strace $0x9FFFFFFF  }
0xc3: {  	(tm) =	ssettm $0x7FFFFFFF  }
tec
execute0_lowered:
.L_overlay_start_1:
0x0: {  	(tag) =	ssettag $0x1  }
0x1: {  	s5 =	rddreg [dreg:$0x0]  }
0x2: {  	s0 =	srdreg.scid;
	s7 =	rddreg [dreg:$0x1]  }
0x3: {  	s2 =	rddreg [dreg:$0x2];
	s3 =	simm.s32 $0x0;
	s15 =	simm.s32 $0x5000  }
0x4: {  	s16 =	simm.s32 $0x1;
	s6 =	sand.u32 $0x1, s0;
	s0 =	stileid.u32  }
0x5: {  	s17 =	simm.s32 $0x0;
	[smem:$0x7FF] =	sst s3;
	s9 =	smul.u32 $0x13C00, s0  }
0x6: {  	s1 =	sshll.u32 s6, $0x4;
	s10 =	smul.u32 $0x140000, s6;
	s6 =	ssub.s32 $0x2, s6  }
0x7: {  	s29 =	smul.u32 $0x4F000, s0;
	s31 =	sshll.u32 s0, $0x6;
	s4 =	sor.u32 s0, s1  }
0x8: {  	s1 =	rddreg [dreg:$0x3];
	_ =	strace $0x8000004D;
	s13 =	sshrl.u32 s6, $0x1  }
0x9: {  	s8 =	smul.u32 $0x500, s4;
	s4 =	sadd.s32 $0x98C00, s5;
	s12 =	sshrl.u32 s9, $0x3  }
0xa: {  	s9 =	sadd.s32 s9, s10;
	s13 =	ssub.s32 s6, s13;
	s30 =	sshrl.u32 s29, $0x2  }
0xb: {  	s6 =	sor.u32 $0x1C02, s31;
	s12 =	sadd.s32 s12, s5;
	s9 =	sshrl.u32 s9, $0x3  }
0xc: {  	s14 =	sadd.s32 s30, s2;
	s10 =	smax.u32 s13, $0x1;
	s13 =	simm.s32 $0x2800  }
0xd: {  	s11 =	sadd.s32 s8, s5;
	s9 =	sadd.s32 s9, s5;
	s5 =	sadd.s32 $0x16400, s12  }
0xe: {  	s7 =	sadd.s32 s7, s8;
	s12 =	simm.s32 $0x2;
	s8 =	sadd.s32 $0x8EC00, s11  }
0xf: {  	s9 =	sadd.s32 $0xC0C00, s9;
	s11 =	sshrl.u32 s14, $0x3;
	s14 =	simm.s32 $0x80  }
.LBB2_1:
0x10: {  	[spmem:s11], [sflag:s6] =	dma.local [hbm:s5], $0x2780  }
0x11: {  	_ =	swait.ge [sflag:s12], $0x2780  }
0x12: {  	[sflag:s12] =	ssyncset.done $0x0  }
0x13: {  	[sflag:s12] =	ssyncadd.s32 $0xFFFFD880  }
0x14: {  	[bflag:$0x0] =	sbarrier.arrive $0xFFFF  }
0x15: {  	[tilespmem:s3], [sflag:$0x2] =	stream.linear.gather [hbm4b:s7+s3], $0x2800, $0x38;
	[tilespmem:$0x1CC00] =	vst v63  }
0x16: {  	_ =	swait.ge [sflag:s12], $0x2800  }
0x17: {  	[sflag:s12] =	ssyncset.done $0x0  }
0x18: {  	[sflag:s12] =	ssyncadd.s32 $0xFFFFD800  }
0x19: {  	[tilespmem:s13], [sflag:$0x2] =	stream.linear.gather [hbm4b:s8+s3], $0x2800, $0x38;
	[tilespmem:$0x1CC00] =	vst v63  }
0x1a: {  	_ =	swait.ge [sflag:s12], $0x2800  }
0x1b: {  	[sflag:s12] =	ssyncset.done $0x0  }
0x1c: {  	s18 =	simm.s32 $0x0;
	[sflag:s12] =	ssyncadd.s32 $0xFFFFD800  }
0x1d: {  	[tilespmem:s15], [sflag:$0x1] =	stream.indirect.gather [hbm4b:s4+s14], $0x80, s18, s14, $0xb8;
	[tilespmem:$0x1CC00] =	vst v63  }
0x1e: {  	_ =	swait.ge [sflag:s16], $0x4000  }
0x1f: {  	[sflag:s16] =	ssyncset.done $0x0  }
0x20: {  	s31 =	simm.s32 $0x2800;
	[sflag:s16] =	ssyncadd.s32 $0xFFFFC000  }
0x21: {  	[spmem:s2] =	stream.indirect.scatter.add.f32 [tilespmem:s15], [sflag:$0x2], $0x80, s31, s14, $0xb8;
	[tilespmem:$0x1CC00] =	vst v63  }
0x22: {  	_ =	swait.ge [sflag:s12], $0x4000  }
0x23: {  	s19 =	simm.s32 $0x400;
	s18 =	simm.s32 $0x200;
	[sflag:s12] =	ssyncset.done $0x0  }
.LBB2_2:
0x24: {  	s20 =	sshra.s32 s18, $0x2  }
0x25: {  	[sflag:s12] =	ssyncadd.s32 $0xFFFFC000;
	s18 =	smov.u32 s19;
	s21 =	sadd.s32 $0x200, s19  }
0x26: {  	[tilespmem:s15], [sflag:$0x1] =	stream.indirect.gather [hbm4b:s4+s14], $0x80, s20, s14, $0xb8;
	[tilespmem:$0x1CC00] =	vst v63  }
0x27: {  	p0 =	sne.s32 s19, $0x9E00;
	_ =	swait.ge [sflag:s16], $0x4000  }
.Ltmp0:
0x28: {  	[sflag:s16] =	ssyncset.done $0x0;
	(pc) =	sbr.rel @p0 .LBB2_2-.Ltmp0, $4  }
0x29: {  	s19 =	sadd.s32 $0x2800, s20;
	[sflag:s16] =	ssyncadd.s32 $0xFFFFC000  }
0x2a: {  	[spmem:s2] =	stream.indirect.scatter.add.f32 [tilespmem:s15], [sflag:$0x2], $0x80, s19, s14, $0xb8;
	[tilespmem:$0x1CC00] =	vst v63  }
0x2b: {  	_ =	swait.ge [sflag:s12], $0x4000  }
0x2c: {  	s19 =	smov.u32 s21;
	[sflag:s12] =	ssyncset.done $0x0  }
0x2d: {  	s18 =	sshra.s32 s18, $0x2;
	[sflag:s12] =	ssyncadd.s32 $0xFFFFC000  }
0x2e: {  	[tilespmem:s15], [sflag:$0x1] =	stream.indirect.gather [hbm4b:s4+s14], $0x80, s18, s14, $0xb8;
	[tilespmem:$0x1CC00] =	vst v63  }
0x2f: {  	_ =	swait.ge [sflag:s16], $0x4000  }
0x30: {  	[sflag:s16] =	ssyncset.done $0x0  }
0x31: {  	s18 =	sadd.s32 $0x2800, s18;
	[sflag:s16] =	ssyncadd.s32 $0xFFFFC000  }
0x32: {  	[spmem:s2] =	stream.indirect.scatter.add.f32 [tilespmem:s15], [sflag:$0x2], $0x80, s18, s14, $0xb8;
	[tilespmem:$0x1CC00] =	vst v63  }
0x33: {  	_ =	swait.ge [sflag:s12], $0x4000  }
0x34: {  	s17 =	sadd.s32 $0x1, s17;
	[sflag:s12] =	ssyncset.done $0x0  }
0x35: {  	p0 =	sne.s32 s17, s10;
	[sflag:s12] =	ssyncadd.s32 $0xFFFFC000  }
.Ltmp1:
0x36: {  	[bflag:$0x0] =	sbarrier.arrive $0xFFFF;
	(pc) =	sbr.rel @p0 .LBB2_1-.Ltmp1, $4  }
0x37: {  	[hbm:s9], [sflag:s6] =	dma.local [spmem:s11], $0x2780  }
0x38: {  	_ =	swait.ge [sflag:s12], $0x2780  }
0x39: {  	[sflag:s12] =	ssyncset.done $0x0  }
0x3a: {  	[sflag:s12] =	ssyncadd.s32 $0xFFFFD880  }
0x3b: {  	_ =	sfence.sel $0x180000  }
0x3c: {  	[bflag:$0x0] =	sbarrier.arrive $0xFFFF  }
0x3d: {  	p0 =	sne.s32 s0, $0x0;
	_ =	strace $0x9000004D  }
0x3e: {  	s0 =	sadd.s32 @!p0 $0x100000, s1;
	[bflag:$0x2] =	sbarrier.arrive $0xFFFF  }
0x3f: {  	[sflag:s0] =	ssyncadd.tile.s32 @!p0 $0x1;
	_ =	shalt  }
.Lfunc_end2:
_tile_overlayer_lowered:
.L_overlay_start_2:
0x40: {  	(tag) =	ssettag $0x2  }
0x41: {  	s0 =	rddreg [dreg:$0x0];
	s2 =	stileid.u32  }
0x42: {  	s1 =	rddreg [dreg:$0x1];
	p0 =	sne.s32 s2, $0x0  }
0x43: {  	s3 =	rddreg [dreg:$0x2];
	[bflag:$0x3] =	sbarrier.arrive $0xFFFF;
	s2 =	simm.s32 @!p0 $0x1C02  }
0x44: {  	[timem:s3], [sflag:s2] =	dma.local @!p0 [hbm:s0], s1  }
0x45: {  	s0 =	simm.s32 @!p0 $0x2  }
0x46: {  	_ =	swait.ge @!p0 [sflag:s0], s1  }
0x47: {  	s1 =	ssub.s32 @!p0 $0x0, s1;
	[sflag:s0] =	ssyncset.done @!p0 $0x0  }
0x48: {  	[sflag:s0] =	ssyncadd.s32 @!p0 s1  }
0x49: {  	[bflag:$0x3] =	sbarrier.arrive $0xFFFF  }
0x4a: {  	_ =	shalt  }

// kernel: kernel.8.cloned.1.call-start
scs
__scs_entry_jumppad:
0x0: {  	(pc) =	sbr.rel $0x88, $3  }
0x1: {  	(tag) =	ssettag $0x0;
	lr =	simm.s32 $0x1  }
0x2: {  	[smem:$0x3F9B] =	sst lr;
	_ =	strace $0xD0000000  }
0x3: {  	_ = 	snop  }
0x4: {  	_ = 	snop  }
0x5: {  	_ = 	snop  }
0x6: {  	_ = 	snop  }
0x7: {  	_ = 	snop  }
__scs_overlays_trampoline_lowered:
0x8: {  	[smem:$0x3FAA] =	sst s0  }
0x9: {  	[smem:$0x3FAB] =	sst s1  }
0xa: {  	[smem:$0x3FAC] =	sst s2  }
0xb: {  	[smem:$0x3FAD] =	sst s3  }
0xc: {  	[smem:$0x3FAE] =	sst s4  }
0xd: {  	[smem:$0x3FAF] =	sst s5  }
0xe: {  	[smem:$0x3FB0] =	sst s6  }
0xf: {  	[smem:$0x3FB1] =	sst s7  }
0x10: {  	[smem:$0x3FB2] =	sst s8  }
0x11: {  	[smem:$0x3FB3] =	sst s9;
	s0 =	simm.s32 @!p0 $0x0  }
0x12: {  	s1 =	sld [smem:$0x3F99];
	s0 =	simm.s32 @p0 $0x1  }
0x13: {  	[smem:$0x3FB4] =	sst s0;
	s0 =	simm.s32 @!p1 $0x0  }
0x14: {  	s2 =	sld [smem:$0x3F98];
	s0 =	simm.s32 @p1 $0x1  }
0x15: {  	[smem:$0x3FB5] =	sst s0;
	s0 =	simm.s32 @!p2 $0x0  }
0x16: {  	s3 =	sld [smem:$0x3FDB];
	s0 =	simm.s32 @p2 $0x1  }
0x17: {  	s4 =	simm.s32 $0x1BF5;
	[smem:$0x3FB7] =	sst s0  }
0x18: {  	s0 =	sld [smem:$0x3F9A];
	_ =	swait.ge [sflag:s4], $0x0  }
0x19: {  	s7 =	sld [smem:$0x3F9B]  }
0x1a: {  	s8 =	sadd.s32 $0xFFFFE003, lr  }
0x1b: {  	s9 =	sadd.s32 $0xFFFFFEF7, lr;
	s5 =	simm.s32 $0xFFFFFFFF;
	p2 =	slt.u32 s8, $0xFFFFF086  }
0x1c: {  	p1 =	slt.u32 s9, $0xF7A;
	s5 =	simm.s32 @!p2 $0x0  }
0x1d: {  	s5 =	simm.s32 @p1 $0x1;
	p0 =	seq.s32 s7, s2  }
0x1e: {  	s7 =	smul.u32 @!p0 $0xF7A, s2;
	p2 =	seq.s32 @!p0 s5, $0x0  }
0x1f: {  	s9 =	smul.u32 $0xF7A, s1;
	s8 =	simm.s32 @!p0 $0x1BF5;
	p2 =	por !p2, p0  }
0x20: {  	[sflag:s8] =	ssyncset.s32 @!p0 $0xFFFFF086;
	s6 =	sadd.s32 @!p0 s3, s7;
	s7 =	simm.s32 @!p0 $0x108  }
0x21: {  	s3 =	sadd.s32 s3, s9;
	s6 =	sadd.s32 @!p0 $0x88, s6;
	s7 =	simm.s32 @p2 $0x1082  }
0x22: {  	[simem:s7], [sflag:s8] =	dma.local @!p0 [hbm:s6], $0xF7A  }
0x23: {  	s9 =	sor.u32 $0xD0000000, s2;
	s6 =	simm.s32 $0x108;
	_ =	swait.ge @!p0 [sflag:s8], $0x0  }
0x24: {  	s3 =	sadd.s32 $0x88, s3;
	s6 =	simm.s32 @!p1 $0x1082;
	[sflag:s4] =	ssyncset.s32 $0xFFFFF086  }
0x25: {  	[simem:s6], [sflag:s4] =	dma.local [hbm:s3], $0xF7A  }
0x26: {  	[smem:$0x3F9B] =	sst s1;
	(tag) =	ssettag s2;
	_ =	strace s9  }
0x27: {  	s1 =	sld [smem:$0x3FAB]  }
0x28: {  	s2 =	sld [smem:$0x3FAC]  }
0x29: {  	s4 =	sld [smem:$0x3FAE]  }
0x2a: {  	p0 =	seq.s32 s5, $0x0;
	s5 =	sld [smem:$0x3FAF]  }
0x2b: {  	s6 =	sld [smem:$0x3FB0]  }
0x2c: {  	s7 =	sld [smem:$0x3FB1]  }
0x2d: {  	s3 =	simm.s32 $0x108;
	s8 =	sld [smem:$0x3FB2]  }
0x2e: {  	s3 =	simm.s32 @!p0 $0x1082;
	s9 =	sld [smem:$0x3FB3]  }
0x2f: {  	lr =	sadd.s32 s0, s3;
	s0 =	sld [smem:$0x3FAA]  }
0x30: {  	s3 =	sld [smem:$0x3FAD]  }
0x31: {  	[smem:$0x3FB6] =	sst s10  }
0x32: {  	s10 =	sld [smem:$0x3FB4];
	_ =	sdelay $0x3  }
0x33: {  	p0 =	seq.s32 s10, $0x1;
	s10 =	sld [smem:$0x3FB6];
	_ =	sdelay $0x3  }
0x34: {  	[smem:$0x3FB6] =	sst s10  }
0x35: {  	s10 =	sld [smem:$0x3FB5];
	_ =	sdelay $0x3  }
0x36: {  	p1 =	seq.s32 s10, $0x1;
	s10 =	sld [smem:$0x3FB6];
	_ =	sdelay $0x3  }
0x37: {  	[smem:$0x3FB6] =	sst s10  }
0x38: {  	s10 =	sld [smem:$0x3FB7]  }
0x39: {  	_ = 	snop;
	(pc) =	sbr.ind lr, $3  }
0x3a: {  	_ = 	snop  }
0x3b: {  	_ = 	snop  }
0x3c: {  	p2 =	seq.s32 s10, $0x1;
	s10 =	sld [smem:$0x3FB6]  }
0x3d: {  	_ =	shalt  }
0x3e: {  	_ =	shalt  }
0x3f: {  	_ =	shalt  }
0x40: {  	_ =	shalt  }
0x41: {  	_ =	shalt  }
0x42: {  	_ =	shalt  }
0x43: {  	_ =	shalt  }
0x44: {  	_ =	shalt  }
0x45: {  	_ =	shalt  }
0x46: {  	_ =	shalt  }
0x47: {  	_ =	shalt  }
0x48: {  	_ =	shalt  }
0x49: {  	_ =	shalt  }
0x4a: {  	_ =	shalt  }
0x4b: {  	_ =	shalt  }
0x4c: {  	_ =	shalt  }
0x4d: {  	_ =	shalt  }
0x4e: {  	_ =	shalt  }
0x4f: {  	_ =	shalt  }
0x50: {  	_ =	shalt  }
0x51: {  	_ =	shalt  }
0x52: {  	_ =	shalt  }
0x53: {  	_ =	shalt  }
0x54: {  	_ =	shalt  }
0x55: {  	_ =	shalt  }
0x56: {  	_ =	shalt  }
0x57: {  	_ =	shalt  }
0x58: {  	_ =	shalt  }
0x59: {  	_ =	shalt  }
0x5a: {  	_ =	shalt  }
0x5b: {  	_ =	shalt  }
0x5c: {  	_ =	shalt  }
0x5d: {  	_ =	shalt  }
0x5e: {  	_ =	shalt  }
0x5f: {  	_ =	shalt  }
0x60: {  	_ =	shalt  }
0x61: {  	_ =	shalt  }
0x62: {  	_ =	shalt  }
0x63: {  	_ =	shalt  }
0x64: {  	_ =	shalt  }
0x65: {  	_ =	shalt  }
0x66: {  	_ =	shalt  }
0x67: {  	_ =	shalt  }
0x68: {  	_ =	shalt  }
0x69: {  	_ =	shalt  }
0x6a: {  	_ =	shalt  }
0x6b: {  	_ =	shalt  }
0x6c: {  	_ =	shalt  }
0x6d: {  	_ =	shalt  }
0x6e: {  	_ =	shalt  }
0x6f: {  	_ =	shalt  }
0x70: {  	_ =	shalt  }
0x71: {  	_ =	shalt  }
0x72: {  	_ =	shalt  }
0x73: {  	_ =	shalt  }
0x74: {  	_ =	shalt  }
0x75: {  	_ =	shalt  }
0x76: {  	_ =	shalt  }
0x77: {  	_ =	shalt  }
0x78: {  	_ =	shalt  }
0x79: {  	_ =	shalt  }
0x7a: {  	_ =	shalt  }
0x7b: {  	_ =	shalt  }
0x7c: {  	_ =	shalt  }
0x7d: {  	_ =	shalt  }
0x7e: {  	_ =	shalt  }
0x7f: {  	_ =	shalt  }
0x80: {  	_ =	shalt  }
0x81: {  	_ =	shalt  }
0x82: {  	_ =	shalt  }
0x83: {  	_ =	shalt  }
0x84: {  	_ =	shalt  }
0x85: {  	_ =	shalt  }
0x86: {  	_ =	shalt  }
0x87: {  	_ =	shalt  }
.Lfunc_end0:
.L_simem_size_0:
called_computation_lowered:
.L_overlay_start_0:
0x88: {  	s2 =	sld [smem:$0x3FD9]  }
0x89: {  	s3 =	sld [smem:$0x3FFE];
	_ =	sdelay $0x1  }
0x8a: {  	s1 =	srdreg.scid  }
0x8b: {  	s0 =	sand.u32 $0x1, s1  }
0x8c: {  	s16 =	sshll.u32 s0, $0xA;
	s2 =	sadd.s32 s3, s2  }
0x8d: {  	s2 =	sadd.s32 s2, s16  }
0x8e: {  	[smem:$0x3FC2] =	sst s2  }
0x8f: {  	_ = 	snop  }
0x90: {  	(tm) =	ssettm $0x1  }
0x91: {  	s17 =	sld [smem:$0x3FFB];
	_ =	sdelay $0x3  }
0x92: {  	_ =	strace s17  }
0x93: {  	s2 =	sld [smem:$0x3FFC];
	_ =	sdelay $0x3  }
0x94: {  	_ =	strace s2  }
0x95: {  	s2 =	sld [smem:$0x3FFD];
	_ =	sdelay $0x3  }
0x96: {  	_ =	strace s2  }
0x97: {  	_ =	strace $0x8FFFFFFF  }
0x98: {  	s18 =	sld [smem:$0x3FDB];
	_ =	sdelay $0x1  }
0x99: {  	s19 =	simm.s32 $_scs_section_size  }
0x9a: {  	s4 =	simm.s32 $_size__tile_overlayer_lowered;
	s5 =	simm.s32 $_tile_overlayer_lowered  }
0x9b: {  	s22 =	simm.s32 $0x1BFF;
	s21 =	sshll.u32 s5, $0x1;
	s2 =	sadd.s32 s19, s18  }
0x9c: {  	s6 =	simm.s32 $0x0;
	s20 =	sshll.u32 s4, $0x1;
	s4 =	sadd.s32 s21, s2  }
0x9d: {  	[timem:s6], [sflag:s22] =	dma.local [hbm:s4], s20  }
0x9e: {  	_ =	swait.ge [sflag:s22], s20  }
0x9f: {  	s3 =	ssub.s32 $0x0, s20;
	[sflag:s22] =	ssyncset.done $0x0  }
0xa0: {  	[sflag:s22] =	ssyncadd.s32 s3;
	_ =	sdelay $0x1  }
0xa1: {  	s23 =	simm.s32 $0x1B8B  }
0xa2: {  	_ =	swait.ge [sflag:s23], $0x1  }
0xa3: {  	[sflag:s23] =	ssyncset.done $0x0  }
0xa4: {  	s25 =	simm.s32 $0x1B8E;
	s24 =	sld [smem:$0x3FFE];
	[sflag:s23] =	ssyncadd.s32 $0xFFFFFFFF  }
0xa5: {  	s26 =	simm.s32 $execute0_lowered;
	[smem:$0x3FD2] =	sst s25  }
0xa6: {  	s4 =	sshll.u32 s26, $0x1;
	_ =	strace $0x80000046;
	[dreg:$0x1] =	wrdreg $0xFFFFFFFF  }
0xa7: {  	s28 =	simm.s32 $_size_execute0_lowered;
	s2 =	sadd.s32 s2, s4;
	[dreg:$0x0] =	wrdreg $0x0  }
0xa8: {  	s4 =	sshll.u32 s28, $0x1;
	[dreg:$0x2] =	wrdreg s2  }
0xa9: {  	[dreg:$0x3] =	wrdreg s4  }
0xaa: {  	[dreg:$0x4] =	wrdreg $0xC0  }
0xab: {  	_ =	task [dreg:s6], $0x5FFFF  }
0xac: {  	[dreg:$0x1] =	wrdreg $0xFFFFFFFF  }
0xad: {  	[dreg:$0x0] =	wrdreg $0x60  }
0xae: {  	[dreg:$0x2] =	wrdreg s24  }
0xaf: {  	[dreg:$0x3] =	wrdreg $0x90000  }
0xb0: {  	[dreg:$0x4] =	wrdreg $0x9  }
0xb1: {  	_ =	task.clear_ibuf [dreg:s6], $0x5FFFF;
	_ =	strace $0x90000046  }
0xb2: {  	s29 =	simm.s32 $0x9;
	_ =	strace $0x80000048  }
0xb3: {  	_ =	swait.ge [sflag:s29], $0x1  }
0xb4: {  	[sflag:s29] =	ssyncadd.s32 $0xFFFFFFFF  }
0xb5: {  	_ =	strace $0x90000048  }
0xb6: {  	_ =	sfence  }
0xb7: {  	s30 =	sld [smem:$0x0];
	_ =	sdelay $0x2  }
0xb8: {  	s31 =	sshll.u32 s1, $0xD;
	s1 =	sshrl.u32 s1, $0x2  }
0xb9: {  	s3 =	sand.u32 $0x4000, s31;
	s1 =	sadd.s32 s1, s30  }
0xba: {  	s0 =	sor.u32 s3, s0;
	s1 =	sshll.u32 s1, $0x11  }
0xbb: {  	s0 =	sor.u32 s1, s0  }
0xbc: {  	s0 =	sadd.s32 $0x8F2B, s0  }
0xbd: {  	[sflag:s0] =	ssyncadd.remote.s32 $0x1  }
0xbe: {  	_ =	sfence.sel $0xFFFF  }
0xbf: {  	[dreg:$0x0] =	wrdreg $0xFFFFFFFF;
	(pc) =	sbr.abs _section_cstart, $3  }
0xc0: {  	[dreg:$0x1] =	wrdreg $0xFFFFFFFF  }
0xc1: {  	_ =	task.clear_ibuf [dreg:s6], $0x2FFFF;
	_ =	strace $0x9FFFFFFF  }
0xc2: {  	(tm) =	ssettm $0x7FFFFFFF  }
0xc3: {  	_ =	shalt  }
tec
execute0_lowered:
.L_overlay_start_1:
0x0: {  	(tag) =	ssettag $0x1  }
0x1: {  	s5 =	rddreg [dreg:$0x0]  }
0x2: {  	s0 =	srdreg.scid;
	s2 =	rddreg [dreg:$0x1]  }
0x3: {  	s1 =	rddreg [dreg:$0x2];
	s6 =	sand.u32 $0x1, s0  }
0x4: {  	s3 =	simm.s32 $0x0;
	s0 =	stileid.u32;
	s4 =	smul.u32 $0x50000, s6  }
0x5: {  	s12 =	simm.s32 $0x2800;
	s15 =	simm.s32 $0x80;
	s7 =	smul.u32 $0x5000, s0  }
0x6: {  	s16 =	simm.s32 $0x0;
	[smem:$0x7FF] =	sst s3;
	s29 =	smul.u32 $0x13C00, s0  }
0x7: {  	s8 =	smul.u32 $0x140000, s6;
	_ =	strace $0x80000047;
	s6 =	ssub.s32 $0x2, s6  }
0x8: {  	s30 =	smul.u32 $0x4F000, s0;
	s13 =	sshll.u32 s0, $0x6;
	s31 =	sshrl.u32 s6, $0x1  }
0x9: {  	s13 =	sor.u32 $0x1C01, s13;
	s4 =	sadd.s32 s7, s4;
	s10 =	sshrl.u32 s29, $0x3  }
0xa: {  	s7 =	sadd.s32 s29, s8;
	s8 =	sshrl.u32 s30, $0x2;
	s11 =	ssub.s32 s6, s31  }
0xb: {  	s4 =	sshrl.u32 s4, $0x3;
	s10 =	sadd.s32 s10, s5;
	s7 =	sshrl.u32 s7, $0x3  }
0xc: {  	s14 =	sadd.s32 s8, s2;
	s8 =	smax.u32 s11, $0x1;
	s9 =	sadd.s32 s4, s5  }
0xd: {  	s4 =	sadd.s32 $0x3E400, s5;
	s7 =	sadd.s32 s7, s5;
	s6 =	sadd.s32 $0x16400, s10  }
0xe: {  	s10 =	simm.s32 $0x1;
	s14 =	sshrl.u32 s14, $0x3;
	s5 =	sadd.s32 $0x2400, s9  }
0xf: {  	s7 =	sadd.s32 $0x3EC00, s7;
	s9 =	simm.s32 $0x5000;
	s11 =	sadd.s32 $0x500, s5  }
.LBB2_1:
0x10: {  	[tilespmem:s9], [sflag:$0x1] =	stream.linear.gather [hbm4b:s4+s3], $0x4000, $0x38;
	[tilespmem:$0x1CC00] =	vst v63  }
0x11: {  	_ =	swait.ge [sflag:s10], $0x4000  }
0x12: {  	[sflag:s10] =	ssyncset.done $0x0  }
0x13: {  	[sflag:s10] =	ssyncadd.s32 $0xFFFFC000  }
0x14: {  	[tilespmem:s3], [sflag:$0x1] =	stream.linear.gather [hbm4b:s5+s3], $0x2780, $0x38;
	[tilespmem:$0x1CC00] =	vst v63  }
0x15: {  	_ = 	snop  }
0x16: {  	[tilespmem:s12], [sflag:$0x1] =	stream.linear.gather [hbm4b:s11+s3], $0x2780, $0x38;
	[tilespmem:$0x1CC00] =	vst v63  }
0x17: {  	_ =	swait.ge [sflag:s10], $0x4F00  }
0x18: {  	[sflag:s10] =	ssyncset.done $0x0  }
0x19: {  	[sflag:s10] =	ssyncadd.s32 $0xFFFFB100  }
0x1a: {  	[spmem:s14], [sflag:s13] =	dma.local [hbm:s6], $0x2780  }
0x1b: {  	_ =	swait.ge [sflag:s10], $0x2780  }
0x1c: {  	[sflag:s10] =	ssyncset.done $0x0  }
0x1d: {  	[sflag:s10] =	ssyncadd.s32 $0xFFFFD880  }
0x1e: {  	s17 =	simm.s32 $0x0;
	[bflag:$0x0] =	sbarrier.arrive $0xFFFF  }
0x1f: {  	[spmem:s2] =	stream.indirect.scatter.add.f32 [tilespmem:s9], [sflag:$0x1], $0x80, s17, s15, $0xb8;
	[tilespmem:$0x1CC00] =	vst v63  }
0x20: {  	_ =	swait.ge [sflag:s10], $0x4000  }
0x21: {  	[sflag:s10] =	ssyncset.done $0x0  }
0x22: {  	s31 =	simm.s32 $0x2800;
	[sflag:s10] =	ssyncadd.s32 $0xFFFFC000  }
0x23: {  	[spmem:s2] =	stream.indirect.scatter.add.f32 [tilespmem:s9], [sflag:$0x1], $0x80, s31, s15, $0xb8;
	[tilespmem:$0x1CC00] =	vst v63  }
0x24: {  	_ =	swait.ge [sflag:s10], $0x4000  }
0x25: {  	s18 =	simm.s32 $0x400;
	s17 =	simm.s32 $0x200;
	[sflag:s10] =	ssyncset.done $0x0  }
.LBB2_2:
0x26: {  	s19 =	sshra.s32 s17, $0x2  }
0x27: {  	[sflag:s10] =	ssyncadd.s32 $0xFFFFC000;
	s17 =	smov.u32 s18;
	s20 =	sadd.s32 $0x200, s18  }
0x28: {  	[spmem:s2] =	stream.indirect.scatter.add.f32 [tilespmem:s9], [sflag:$0x1], $0x80, s19, s15, $0xb8;
	[tilespmem:$0x1CC00] =	vst v63  }
0x29: {  	p0 =	sne.s32 s18, $0x9C00;
	_ =	swait.ge [sflag:s10], $0x4000  }
.Ltmp0:
0x2a: {  	[sflag:s10] =	ssyncset.done $0x0;
	(pc) =	sbr.rel @p0 .LBB2_2-.Ltmp0, $4  }
0x2b: {  	s18 =	sadd.s32 $0x2800, s19;
	[sflag:s10] =	ssyncadd.s32 $0xFFFFC000  }
0x2c: {  	[spmem:s2] =	stream.indirect.scatter.add.f32 [tilespmem:s9], [sflag:$0x1], $0x80, s18, s15, $0xb8;
	[tilespmem:$0x1CC00] =	vst v63  }
0x2d: {  	_ =	swait.ge [sflag:s10], $0x4000  }
0x2e: {  	s18 =	smov.u32 s20;
	[sflag:s10] =	ssyncset.done $0x0  }
0x2f: {  	s17 =	sshra.s32 s17, $0x2;
	[sflag:s10] =	ssyncadd.s32 $0xFFFFC000  }
0x30: {  	[spmem:s2] =	stream.indirect.scatter.add.f32 [tilespmem:s9], [sflag:$0x1], $0x80, s17, s15, $0xb8;
	[tilespmem:$0x1CC00] =	vst v63  }
0x31: {  	_ =	swait.ge [sflag:s10], $0x4000  }
0x32: {  	[sflag:s10] =	ssyncset.done $0x0  }
0x33: {  	s17 =	sadd.s32 $0x2800, s17;
	[sflag:s10] =	ssyncadd.s32 $0xFFFFC000  }
0x34: {  	[spmem:s2] =	stream.indirect.scatter.add.f32 [tilespmem:s9], [sflag:$0x1], $0x80, s17, s15, $0xb8;
	[tilespmem:$0x1CC00] =	vst v63  }
0x35: {  	_ =	swait.ge [sflag:s10], $0x4000  }
0x36: {  	s16 =	sadd.s32 $0x1, s16;
	[sflag:s10] =	ssyncset.done $0x0  }
0x37: {  	p0 =	sne.s32 s16, s8;
	[sflag:s10] =	ssyncadd.s32 $0xFFFFC000  }
.Ltmp1:
0x38: {  	[bflag:$0x0] =	sbarrier.arrive $0xFFFF;
	(pc) =	sbr.rel @p0 .LBB2_1-.Ltmp1, $4  }
0x39: {  	[hbm:s7], [sflag:s13] =	dma.local [spmem:s14], $0x2780  }
0x3a: {  	_ =	swait.ge [sflag:s10], $0x2780  }
0x3b: {  	[sflag:s10] =	ssyncset.done $0x0  }
0x3c: {  	[sflag:s10] =	ssyncadd.s32 $0xFFFFD880  }
0x3d: {  	_ =	sfence.sel $0x180000  }
0x3e: {  	[bflag:$0x0] =	sbarrier.arrive $0xFFFF  }
0x3f: {  	p0 =	sne.s32 s0, $0x0;
	_ =	strace $0x90000047  }
0x40: {  	s0 =	sadd.s32 @!p0 $0x100000, s1;
	[bflag:$0x2] =	sbarrier.arrive $0xFFFF  }
0x41: {  	[sflag:s0] =	ssyncadd.tile.s32 @!p0 $0x1;
	_ =	shalt  }
.Lfunc_end2:
_tile_overlayer_lowered:
.L_overlay_start_2:
0x42: {  	(tag) =	ssettag $0x2  }
0x43: {  	s0 =	rddreg [dreg:$0x0];
	s2 =	stileid.u32  }
0x44: {  	s1 =	rddreg [dreg:$0x1];
	p0 =	sne.s32 s2, $0x0  }
0x45: {  	s3 =	rddreg [dreg:$0x2];
	[bflag:$0x3] =	sbarrier.arrive $0xFFFF;
	s2 =	simm.s32 @!p0 $0x1C01  }
0x46: {  	[timem:s3], [sflag:s2] =	dma.local @!p0 [hbm:s0], s1  }
0x47: {  	s0 =	simm.s32 @!p0 $0x1  }
0x48: {  	_ =	swait.ge @!p0 [sflag:s0], s1  }
0x49: {  	s1 =	ssub.s32 @!p0 $0x0, s1;
	[sflag:s0] =	ssyncset.done @!p0 $0x0  }
0x4a: {  	[sflag:s0] =	ssyncadd.s32 @!p0 s1  }
0x4b: {  	[bflag:$0x3] =	sbarrier.arrive $0xFFFF  }
0x4c: {  	_ =	shalt  }

</sc_bundles>
